<compile_context>
chip_gen: v7x
topology: tpu7x:2x2x1
jax: 0.10.2.dev20260603
libtpu: 0.0.44.dev20260713+nightly
codegen_flags: <defaults>
</compile_context>

<pallas_src>
import functools

import jax
import jax.numpy as jnp
from jax import lax
from jax.experimental import pallas as pl
from jax.experimental.pallas import tpu as pltpu
from jax.experimental.pallas import tpu_sc as plsc

ALPHA = 3.0
TOPK = 32

_EXP_ONE = 0x3F800000
_MANT_MASK = 0x007FFFFF
_HI_INIT = 0x3F814800


def _rotl(x, r):
    return (x << r) | ((x >> (32 - r)) & ((1 << r) - 1))


def _threefry2x32_zero(x1):
    k0 = jnp.int32(0)
    k1 = jnp.int32(42)
    k2 = k0 ^ k1 ^ jnp.int32(0x1BD11BDA)
    ks = (k0, k1, k2)
    rotations = ((13, 15, 26, 6), (17, 29, 16, 24))
    x1 = x1 + k1
    x0 = x1
    x1 = x0 ^ _rotl(x1, 13)
    first = True
    for i in range(5):
        for r in rotations[i % 2]:
            if first:
                first = False
                continue
            x0 = x0 + x1
            x1 = _rotl(x1, r)
            x1 = x0 ^ x1
        x0 = x0 + ks[(i + 1) % 3]
        x1 = x1 + ks[(i + 2) % 3] + jnp.int32(i + 1)
    return x0, x1


def _noise_tile(r0, br, n):
    row = r0 + lax.broadcasted_iota(jnp.int32, (br, n), 0)
    col = lax.broadcasted_iota(jnp.int32, (br, n), 1)
    f = row * n + col
    o0, o1 = _threefry2x32_zero(f)
    bits = o0 ^ o1
    fb = ((bits >> 9) & _MANT_MASK) | jnp.int32(_EXP_ONE)
    u = lax.bitcast_convert_type(fb, jnp.float32) - jnp.float32(1.0)
    return u * jnp.float32(0.01)


_SC_CORES = 2
_SC_SUBCORES = 16
_SC_CHUNK = 128


def _sc_gather_pair(emb1, emb2, idx):
    n, d = emb1.shape
    nw = _SC_CORES * _SC_SUBCORES
    b_per_w = n // nw
    ch = min(_SC_CHUNK, b_per_w)
    mesh = plsc.VectorSubcoreMesh(core_axis_name="c", subcore_axis_name="s")

    def body(e1_hbm, e2_hbm, idx_hbm, o1_hbm, o2_hbm, idx_v, rows_v, sem):
        wid = lax.axis_index("s") * _SC_CORES + lax.axis_index("c")
        base = wid * b_per_w
        for j in range(b_per_w // ch):
            off = base + j * ch
            pltpu.sync_copy(idx_hbm.at[pl.ds(off, ch)], idx_v)
            pltpu.async_copy(e1_hbm.at[idx_v], rows_v, sem).wait()
            pltpu.sync_copy(rows_v, o1_hbm.at[pl.ds(off, ch)])
            pltpu.async_copy(e2_hbm.at[idx_v], rows_v, sem).wait()
            pltpu.sync_copy(rows_v, o2_hbm.at[pl.ds(off, ch)])

    fn = pl.kernel(
        body,
        out_type=[
            jax.ShapeDtypeStruct((n, d), jnp.float32),
            jax.ShapeDtypeStruct((n, d), jnp.float32),
        ],
        mesh=mesh,
        scratch_types=[
            pltpu.VMEM((ch,), jnp.int32),
            pltpu.VMEM((ch, d), jnp.float32),
            pltpu.SemaphoreType.DMA,
        ],
    )
    return fn(emb1, emb2, idx)


def _prologue_body(x1_ref, x2_ref, w1_ref, b1_ref, w2_ref, b2_ref, n1_ref, n2_ref):
    dn = (((1,), (1,)), ((), ()))
    h1 = lax.dot_general(x1_ref[...], w1_ref[...], dn,
                         preferred_element_type=jnp.float32) + b1_ref[...]
    n1_ref[...] = jnp.tanh(jnp.float32(ALPHA) * h1)
    h2 = lax.dot_general(x2_ref[...], w2_ref[...], dn,
                         preferred_element_type=jnp.float32) + b2_ref[...]
    n2_ref[...] = jnp.tanh(jnp.float32(ALPHA) * h2)


def _main_body(n1_ref, n2_ref, out_ref, *, br, n):
    i = pl.program_id(0)
    r0 = i * br
    n1b = n1_ref[pl.ds(r0, br), :]
    n2b = n2_ref[pl.ds(r0, br), :]
    dn = (((1,), (1,)), ((), ()))
    m1 = lax.dot_general(n1b, n2_ref[...], dn, preferred_element_type=jnp.float32)
    m2 = lax.dot_general(n2b, n1_ref[...], dn, preferred_element_type=jnp.float32)
    a_val = jnp.maximum(jnp.tanh(jnp.float32(ALPHA) * (m1 - m2)), jnp.float32(0.0))
    v = a_val + _noise_tile(r0, br, n)
    vb = lax.bitcast_convert_type(v, jnp.int32)

    def rowcount(mask_bool):
        return jnp.sum(mask_bool.astype(jnp.int32), axis=1, keepdims=True)

    one_bits = jnp.int32(_EXP_ONE)
    c1 = rowcount(vb >= one_bits)
    sat = c1 >= TOPK
    lo0 = jnp.where(sat, one_bits, 0)
    hi0 = jnp.where(sat, jnp.int32(_HI_INIT), one_bits - 1)

    cl0 = jnp.where(sat, c1, jnp.int32(n))
    ch0 = jnp.zeros((br, 1), jnp.int32)
    ch0 = jnp.where(sat, ch0, c1)

    def bs_step(lo, hi, cl, ch):
        mid = (lo + hi + 1) >> 1
        cnt = rowcount(vb >= mid)
        ge = cnt >= TOPK
        lo = jnp.where(ge, mid, lo)
        cl = jnp.where(ge, cnt, cl)
        hi = jnp.where(ge, hi, mid - 1)
        ch = jnp.where(ge, ch, cnt)
        return lo, hi, cl, ch

    def bs_body17(_, carry):
        return bs_step(*carry)

    carry1 = lax.fori_loop(0, 17, bs_body17, (lo0, hi0, cl0, ch0), unroll=True)

    def bs_cond(carry):
        lo, hi, _, _ = carry
        return jnp.any(lo < hi)

    def bs_body(carry):
        return bs_step(*carry)

    tbits, _, cl, ch = lax.while_loop(bs_cond, bs_body, carry1)

    c_gt = ch
    need = TOPK - c_gt
    e_cnt = cl - ch
    col = lax.broadcasted_iota(jnp.int32, (br, n), 1)
    ec = jnp.where(vb == tbits, col, jnp.int32(n))
    need_eff = jnp.where(e_cnt == need, 0, need)

    def tie_cond(carry):
        _, cnt = carry
        return jnp.any(cnt < need_eff)

    def tie_body(carry):
        last, cnt = carry
        cand = jnp.where(ec > last, ec, jnp.int32(n))
        m = jnp.min(cand, axis=1, keepdims=True)
        active = cnt < need_eff
        return jnp.where(active, m, last), cnt + active.astype(jnp.int32)

    last0 = jnp.full((br, 1), -1, jnp.int32)
    cnt0 = jnp.zeros((br, 1), jnp.int32)
    last, _ = lax.while_loop(tie_cond, tie_body, (last0, cnt0))
    cstar = jnp.where(need_eff == 0, jnp.int32(n - 1), last)

    mask = (vb > tbits) | (ec <= cstar)
    out_ref[...] = jnp.where(mask, a_val, jnp.float32(0.0))


def kernel(idx, emb1, emb2, W1, b1, W2, b2):
    n, d = emb1.shape
    g1, g2 = _sc_gather_pair(emb1, emb2, idx)

    pr_block = min(n, 1024)
    n1, n2 = pl.pallas_call(
        _prologue_body,
        grid=(n // pr_block,),
        in_specs=[
            pl.BlockSpec((pr_block, d), lambda i: (i, 0)),
            pl.BlockSpec((pr_block, d), lambda i: (i, 0)),
            pl.BlockSpec((d, d), lambda i: (0, 0)),
            pl.BlockSpec((1, d), lambda i: (0, 0)),
            pl.BlockSpec((d, d), lambda i: (0, 0)),
            pl.BlockSpec((1, d), lambda i: (0, 0)),
        ],
        out_specs=[
            pl.BlockSpec((pr_block, d), lambda i: (i, 0)),
            pl.BlockSpec((pr_block, d), lambda i: (i, 0)),
        ],
        out_shape=[
            jax.ShapeDtypeStruct((n, d), jnp.float32),
            jax.ShapeDtypeStruct((n, d), jnp.float32),
        ],
        compiler_params=pltpu.CompilerParams(
            dimension_semantics=("parallel",),
        ),
    )(g1, g2, W1, b1.reshape(1, d), W2, b2.reshape(1, d))

    br = 128
    out = pl.pallas_call(
        functools.partial(_main_body, br=br, n=n),
        grid=(n // br,),
        in_specs=[
            pl.BlockSpec((n, d), lambda i: (0, 0)),
            pl.BlockSpec((n, d), lambda i: (0, 0)),
        ],
        out_specs=pl.BlockSpec((br, n), lambda i: (i, 0)),
        out_shape=jax.ShapeDtypeStruct((n, n), jnp.float32),
        compiler_params=pltpu.CompilerParams(
            dimension_semantics=("parallel",),
            vmem_limit_bytes=100 * 1024 * 1024,
        ),
    )(n1, n2)
    return out

# --- scband reference (transcript-rebuilt; emitter-appended) ---
"""Pipeline reference for scband-graph-learning-21217138442723 (READ-ONLY COPY).

The authoritative reference and input builder live on the scoring server;
editing this copy changes nothing except your own understanding.
"""

import jax, jax.numpy as jnp
import numpy as np

N = 8192
D = 256
K = 32
ALPHA = 3.0


def setup_inputs(seed: int = 0) -> dict:
    key = jax.random.key(seed)
    ks = jax.random.split(key, 6)
    idx = jnp.arange(N, dtype=jnp.int32)  # permutation of nodes (identity perm)
    emb1 = jax.random.normal(ks[0], (N, D), dtype=jnp.float32)
    emb2 = jax.random.normal(ks[1], (N, D), dtype=jnp.float32)
    bound = 1.0 / np.sqrt(D)
    W1 = jax.random.uniform(ks[2], (D, D), dtype=jnp.float32, minval=-bound, maxval=bound)
    b1 = jax.random.uniform(ks[3], (D,), dtype=jnp.float32, minval=-bound, maxval=bound)
    W2 = jax.random.uniform(ks[4], (D, D), dtype=jnp.float32, minval=-bound, maxval=bound)
    b2 = jax.random.uniform(ks[5], (D,), dtype=jnp.float32, minval=-bound, maxval=bound)
    return {"idx": idx, "emb1": emb1, "emb2": emb2, "W1": W1, "b1": b1, "W2": W2, "b2": b2}


def reference(idx, emb1, emb2, W1, b1, W2, b2):
    # embedding lookups (gather)
    nodevec1 = jnp.take(emb1, idx, axis=0)
    nodevec2 = jnp.take(emb2, idx, axis=0)
    # linear layers (torch Linear: x @ W.T + b) with tanh saturation
    nodevec1 = jnp.tanh(ALPHA * (nodevec1 @ W1.T + b1))
    nodevec2 = jnp.tanh(ALPHA * (nodevec2 @ W2.T + b2))
    # asymmetric similarity
    a = nodevec1 @ nodevec2.T - nodevec2 @ nodevec1.T
    A = jax.nn.relu(jnp.tanh(ALPHA * a))
    # top-k sparsification with small random tie-breaking noise (as in torch.rand_like * 0.01)
    noise = jax.random.uniform(jax.random.key(42), A.shape, dtype=A.dtype) * 0.01
    _, top_indices = jax.lax.top_k(A + noise, K)
    rows = jnp.arange(A.shape[0])[:, None]
    mask = jnp.zeros_like(A).at[rows, top_indices].set(1.0)
    return A * mask

if __name__ == "__main__":
    import jax
    _d = setup_inputs()
    print(jax.jit(kernel)(*tuple(_d.values())))

</pallas_src>

<mosaic_0001>
#map = affine_map<(d0, d1) -> (0, 0)>
#map1 = affine_map<(d0, d1) -> (0)>
module attributes {stable_mosaic.version = 14 : i64} {
  func.func @body(%arg0: i32, %arg1: i32, %arg2: memref<8192x256xf32, #tpu.memory_space<hbm>>, %arg3: memref<8192x256xf32, #tpu.memory_space<hbm>>, %arg4: memref<8192xi32, #tpu.memory_space<hbm>>, %arg5: memref<8192x256xf32, #tpu.memory_space<hbm>>, %arg6: memref<8192x256xf32, #tpu.memory_space<hbm>>, %arg7: memref<128xi32, #tpu.memory_space<vmem>>, %arg8: memref<128x256xf32, #tpu.memory_space<vmem>>, %arg9: memref<!tpu.dma_semaphore, #tpu.memory_space<semaphore_mem>>) attributes {dimension_semantics = [#tpu.dimension_semantics<core_parallel>, #tpu.dimension_semantics<subcore_parallel>], iteration_bounds = array<i64: 2, 16>, scalar_prefetch = 0 : i64, scratch_operands = 3 : i64, tpu.core_type = #tpu.core_type<sc_vector_subcore>, window_params = [{transform_indices = #map}, {transform_indices = #map}, {transform_indices = #map1}, {transform_indices = #map}, {transform_indices = #map}]} {
    %mul3A = arith.constant 2 : i32
    %mul3A_0 = arith.muli %arg1, %mul3A : i32
    %add3A = arith.addi %mul3A_0, %arg0 : i32
    %mul3A_1 = arith.constant 256 : i32
    %mul3A_2 = arith.muli %add3A, %mul3A_1 : i32
    %add3A_3 = arith.constant 0 : i32
    %add3A_4 = arith.addi %mul3A_2, %add3A_3 : i32
    "tpu.region"() ({
      %run_scoped3A = tpu.sem_alloc : memref<!tpu.dma_semaphore, #tpu.memory_space<semaphore_mem>>
      %dma_start3A_29 = tpu.memref_slice %arg4[%add3A_4] : memref<8192xi32, #tpu.memory_space<hbm>> -> memref<128xi32, #tpu.memory_space<hbm>>
      %dma_start3A_30 = tpu.memref_slice %arg4[%add3A_4] : memref<8192xi32, #tpu.memory_space<hbm>> -> memref<128xi32, #tpu.memory_space<hbm>>
      tpu.enqueue_dma source(%dma_start3A_30 : memref<128xi32, #tpu.memory_space<hbm>>) target(%arg7 : memref<128xi32, #tpu.memory_space<vmem>>) target_semaphore(%run_scoped3A : memref<!tpu.dma_semaphore, #tpu.memory_space<semaphore_mem>>)
      %dma_wait3A_31 = tpu.memref_slice %arg4[%add3A_4] : memref<8192xi32, #tpu.memory_space<hbm>> -> memref<128xi32, #tpu.memory_space<hbm>>
      %dma_wait3A_32 = tpu.memref_slice %arg4[%add3A_4] : memref<8192xi32, #tpu.memory_space<hbm>> -> memref<128xi32, #tpu.memory_space<hbm>>
      tpu.wait_dma2 semaphore(%run_scoped3A : memref<!tpu.dma_semaphore, #tpu.memory_space<semaphore_mem>>) src(%dma_wait3A_32 : memref<128xi32, #tpu.memory_space<hbm>>) dst(%arg7 : memref<128xi32, #tpu.memory_space<vmem>>)
      tpu.yield
    }) : () -> ()
    %dma_start3A = arith.constant 0 : i32
    %dma_start3A_5 = arith.constant 0 : i32
    %dma_start3A_6 = tpu.memref_slice %arg2[%dma_start3A, %dma_start3A_5] : memref<8192x256xf32, #tpu.memory_space<hbm>> -> memref<8192x256xf32, #tpu.memory_space<hbm>>
    tpu.enqueue_indirect_dma source(%dma_start3A_6 : memref<8192x256xf32, #tpu.memory_space<hbm>>) target(%arg8 : memref<128x256xf32, #tpu.memory_space<vmem>>) offsets(%arg7 : memref<128xi32, #tpu.memory_space<vmem>>) semaphore(%arg9 : memref<!tpu.dma_semaphore, #tpu.memory_space<semaphore_mem>>)
    %dma_wait3A = arith.constant 0 : i32
    %dma_wait3A_7 = arith.constant 0 : i32
    %dma_wait3A_8 = tpu.memref_slice %arg2[%dma_wait3A, %dma_wait3A_7] : memref<8192x256xf32, #tpu.memory_space<hbm>> -> memref<8192x256xf32, #tpu.memory_space<hbm>>
    tpu.wait_indirect_dma semaphore(%arg9 : memref<!tpu.dma_semaphore, #tpu.memory_space<semaphore_mem>>) src(%dma_wait3A_8 : memref<8192x256xf32, #tpu.memory_space<hbm>>) dst(%arg8 : memref<128x256xf32, #tpu.memory_space<vmem>>)
    "tpu.region"() ({
      %run_scoped3A = tpu.sem_alloc : memref<!tpu.dma_semaphore, #tpu.memory_space<semaphore_mem>>
      %dma_start3A_29 = arith.constant 0 : i32
      %dma_start3A_30 = tpu.memref_slice %arg5[%add3A_4, %dma_start3A_29] : memref<8192x256xf32, #tpu.memory_space<hbm>> -> memref<128x256xf32, #tpu.memory_space<hbm>>
      %dma_start3A_31 = arith.constant 0 : i32
      %dma_start3A_32 = tpu.memref_slice %arg5[%add3A_4, %dma_start3A_31] : memref<8192x256xf32, #tpu.memory_space<hbm>> -> memref<128x256xf32, #tpu.memory_space<hbm>>
      tpu.enqueue_dma source(%arg8 : memref<128x256xf32, #tpu.memory_space<vmem>>) target(%dma_start3A_32 : memref<128x256xf32, #tpu.memory_space<hbm>>) target_semaphore(%run_scoped3A : memref<!tpu.dma_semaphore, #tpu.memory_space<semaphore_mem>>)
      %dma_wait3A_33 = arith.constant 0 : i32
      %dma_wait3A_34 = tpu.memref_slice %arg5[%add3A_4, %dma_wait3A_33] : memref<8192x256xf32, #tpu.memory_space<hbm>> -> memref<128x256xf32, #tpu.memory_space<hbm>>
      %dma_wait3A_35 = arith.constant 0 : i32
      %dma_wait3A_36 = tpu.memref_slice %arg5[%add3A_4, %dma_wait3A_35] : memref<8192x256xf32, #tpu.memory_space<hbm>> -> memref<128x256xf32, #tpu.memory_space<hbm>>
      tpu.wait_dma2 semaphore(%run_scoped3A : memref<!tpu.dma_semaphore, #tpu.memory_space<semaphore_mem>>) src(%arg8 : memref<128x256xf32, #tpu.memory_space<vmem>>) dst(%dma_wait3A_36 : memref<128x256xf32, #tpu.memory_space<hbm>>)
      tpu.yield
    }) : () -> ()
    %dma_start3A_9 = arith.constant 0 : i32
    %dma_start3A_10 = arith.constant 0 : i32
    %dma_start3A_11 = tpu.memref_slice %arg3[%dma_start3A_9, %dma_start3A_10] : memref<8192x256xf32, #tpu.memory_space<hbm>> -> memref<8192x256xf32, #tpu.memory_space<hbm>>
    tpu.enqueue_indirect_dma source(%dma_start3A_11 : memref<8192x256xf32, #tpu.memory_space<hbm>>) target(%arg8 : memref<128x256xf32, #tpu.memory_space<vmem>>) offsets(%arg7 : memref<128xi32, #tpu.memory_space<vmem>>) semaphore(%arg9 : memref<!tpu.dma_semaphore, #tpu.memory_space<semaphore_mem>>)
    %dma_wait3A_12 = arith.constant 0 : i32
    %dma_wait3A_13 = arith.constant 0 : i32
    %dma_wait3A_14 = tpu.memref_slice %arg3[%dma_wait3A_12, %dma_wait3A_13] : memref<8192x256xf32, #tpu.memory_space<hbm>> -> memref<8192x256xf32, #tpu.memory_space<hbm>>
    tpu.wait_indirect_dma semaphore(%arg9 : memref<!tpu.dma_semaphore, #tpu.memory_space<semaphore_mem>>) src(%dma_wait3A_14 : memref<8192x256xf32, #tpu.memory_space<hbm>>) dst(%arg8 : memref<128x256xf32, #tpu.memory_space<vmem>>)
    "tpu.region"() ({
      %run_scoped3A = tpu.sem_alloc : memref<!tpu.dma_semaphore, #tpu.memory_space<semaphore_mem>>
      %dma_start3A_29 = arith.constant 0 : i32
      %dma_start3A_30 = tpu.memref_slice %arg6[%add3A_4, %dma_start3A_29] : memref<8192x256xf32, #tpu.memory_space<hbm>> -> memref<128x256xf32, #tpu.memory_space<hbm>>
      %dma_start3A_31 = arith.constant 0 : i32
      %dma_start3A_32 = tpu.memref_slice %arg6[%add3A_4, %dma_start3A_31] : memref<8192x256xf32, #tpu.memory_space<hbm>> -> memref<128x256xf32, #tpu.memory_space<hbm>>
      tpu.enqueue_dma source(%arg8 : memref<128x256xf32, #tpu.memory_space<vmem>>) target(%dma_start3A_32 : memref<128x256xf32, #tpu.memory_space<hbm>>) target_semaphore(%run_scoped3A : memref<!tpu.dma_semaphore, #tpu.memory_space<semaphore_mem>>)
      %dma_wait3A_33 = arith.constant 0 : i32
      %dma_wait3A_34 = tpu.memref_slice %arg6[%add3A_4, %dma_wait3A_33] : memref<8192x256xf32, #tpu.memory_space<hbm>> -> memref<128x256xf32, #tpu.memory_space<hbm>>
      %dma_wait3A_35 = arith.constant 0 : i32
      %dma_wait3A_36 = tpu.memref_slice %arg6[%add3A_4, %dma_wait3A_35] : memref<8192x256xf32, #tpu.memory_space<hbm>> -> memref<128x256xf32, #tpu.memory_space<hbm>>
      tpu.wait_dma2 semaphore(%run_scoped3A : memref<!tpu.dma_semaphore, #tpu.memory_space<semaphore_mem>>) src(%arg8 : memref<128x256xf32, #tpu.memory_space<vmem>>) dst(%dma_wait3A_36 : memref<128x256xf32, #tpu.memory_space<hbm>>)
      tpu.yield
    }) : () -> ()
    %add3A_15 = arith.constant 128 : i32
    %add3A_16 = arith.addi %mul3A_2, %add3A_15 : i32
    "tpu.region"() ({
      %run_scoped3A = tpu.sem_alloc : memref<!tpu.dma_semaphore, #tpu.memory_space<semaphore_mem>>
      %dma_start3A_29 = tpu.memref_slice %arg4[%add3A_16] : memref<8192xi32, #tpu.memory_space<hbm>> -> memref<128xi32, #tpu.memory_space<hbm>>
      %dma_start3A_30 = tpu.memref_slice %arg4[%add3A_16] : memref<8192xi32, #tpu.memory_space<hbm>> -> memref<128xi32, #tpu.memory_space<hbm>>
      tpu.enqueue_dma source(%dma_start3A_30 : memref<128xi32, #tpu.memory_space<hbm>>) target(%arg7 : memref<128xi32, #tpu.memory_space<vmem>>) target_semaphore(%run_scoped3A : memref<!tpu.dma_semaphore, #tpu.memory_space<semaphore_mem>>)
      %dma_wait3A_31 = tpu.memref_slice %arg4[%add3A_16] : memref<8192xi32, #tpu.memory_space<hbm>> -> memref<128xi32, #tpu.memory_space<hbm>>
      %dma_wait3A_32 = tpu.memref_slice %arg4[%add3A_16] : memref<8192xi32, #tpu.memory_space<hbm>> -> memref<128xi32, #tpu.memory_space<hbm>>
      tpu.wait_dma2 semaphore(%run_scoped3A : memref<!tpu.dma_semaphore, #tpu.memory_space<semaphore_mem>>) src(%dma_wait3A_32 : memref<128xi32, #tpu.memory_space<hbm>>) dst(%arg7 : memref<128xi32, #tpu.memory_space<vmem>>)
      tpu.yield
    }) : () -> ()
    %dma_start3A_17 = arith.constant 0 : i32
    %dma_start3A_18 = arith.constant 0 : i32
    %dma_start3A_19 = tpu.memref_slice %arg2[%dma_start3A_17, %dma_start3A_18] : memref<8192x256xf32, #tpu.memory_space<hbm>> -> memref<8192x256xf32, #tpu.memory_space<hbm>>
    tpu.enqueue_indirect_dma source(%dma_start3A_19 : memref<8192x256xf32, #tpu.memory_space<hbm>>) target(%arg8 : memref<128x256xf32, #tpu.memory_space<vmem>>) offsets(%arg7 : memref<128xi32, #tpu.memory_space<vmem>>) semaphore(%arg9 : memref<!tpu.dma_semaphore, #tpu.memory_space<semaphore_mem>>)
    %dma_wait3A_20 = arith.constant 0 : i32
    %dma_wait3A_21 = arith.constant 0 : i32
    %dma_wait3A_22 = tpu.memref_slice %arg2[%dma_wait3A_20, %dma_wait3A_21] : memref<8192x256xf32, #tpu.memory_space<hbm>> -> memref<8192x256xf32, #tpu.memory_space<hbm>>
    tpu.wait_indirect_dma semaphore(%arg9 : memref<!tpu.dma_semaphore, #tpu.memory_space<semaphore_mem>>) src(%dma_wait3A_22 : memref<8192x256xf32, #tpu.memory_space<hbm>>) dst(%arg8 : memref<128x256xf32, #tpu.memory_space<vmem>>)
    "tpu.region"() ({
      %run_scoped3A = tpu.sem_alloc : memref<!tpu.dma_semaphore, #tpu.memory_space<semaphore_mem>>
      %dma_start3A_29 = arith.constant 0 : i32
      %dma_start3A_30 = tpu.memref_slice %arg5[%add3A_16, %dma_start3A_29] : memref<8192x256xf32, #tpu.memory_space<hbm>> -> memref<128x256xf32, #tpu.memory_space<hbm>>
      %dma_start3A_31 = arith.constant 0 : i32
      %dma_start3A_32 = tpu.memref_slice %arg5[%add3A_16, %dma_start3A_31] : memref<8192x256xf32, #tpu.memory_space<hbm>> -> memref<128x256xf32, #tpu.memory_space<hbm>>
      tpu.enqueue_dma source(%arg8 : memref<128x256xf32, #tpu.memory_space<vmem>>) target(%dma_start3A_32 : memref<128x256xf32, #tpu.memory_space<hbm>>) target_semaphore(%run_scoped3A : memref<!tpu.dma_semaphore, #tpu.memory_space<semaphore_mem>>)
      %dma_wait3A_33 = arith.constant 0 : i32
      %dma_wait3A_34 = tpu.memref_slice %arg5[%add3A_16, %dma_wait3A_33] : memref<8192x256xf32, #tpu.memory_space<hbm>> -> memref<128x256xf32, #tpu.memory_space<hbm>>
      %dma_wait3A_35 = arith.constant 0 : i32
      %dma_wait3A_36 = tpu.memref_slice %arg5[%add3A_16, %dma_wait3A_35] : memref<8192x256xf32, #tpu.memory_space<hbm>> -> memref<128x256xf32, #tpu.memory_space<hbm>>
      tpu.wait_dma2 semaphore(%run_scoped3A : memref<!tpu.dma_semaphore, #tpu.memory_space<semaphore_mem>>) src(%arg8 : memref<128x256xf32, #tpu.memory_space<vmem>>) dst(%dma_wait3A_36 : memref<128x256xf32, #tpu.memory_space<hbm>>)
      tpu.yield
    }) : () -> ()
    %dma_start3A_23 = arith.constant 0 : i32
    %dma_start3A_24 = arith.constant 0 : i32
    %dma_start3A_25 = tpu.memref_slice %arg3[%dma_start3A_23, %dma_start3A_24] : memref<8192x256xf32, #tpu.memory_space<hbm>> -> memref<8192x256xf32, #tpu.memory_space<hbm>>
    tpu.enqueue_indirect_dma source(%dma_start3A_25 : memref<8192x256xf32, #tpu.memory_space<hbm>>) target(%arg8 : memref<128x256xf32, #tpu.memory_space<vmem>>) offsets(%arg7 : memref<128xi32, #tpu.memory_space<vmem>>) semaphore(%arg9 : memref<!tpu.dma_semaphore, #tpu.memory_space<semaphore_mem>>)
    %dma_wait3A_26 = arith.constant 0 : i32
    %dma_wait3A_27 = arith.constant 0 : i32
    %dma_wait3A_28 = tpu.memref_slice %arg3[%dma_wait3A_26, %dma_wait3A_27] : memref<8192x256xf32, #tpu.memory_space<hbm>> -> memref<8192x256xf32, #tpu.memory_space<hbm>>
    tpu.wait_indirect_dma semaphore(%arg9 : memref<!tpu.dma_semaphore, #tpu.memory_space<semaphore_mem>>) src(%dma_wait3A_28 : memref<8192x256xf32, #tpu.memory_space<hbm>>) dst(%arg8 : memref<128x256xf32, #tpu.memory_space<vmem>>)
    "tpu.region"() ({
      %run_scoped3A = tpu.sem_alloc : memref<!tpu.dma_semaphore, #tpu.memory_space<semaphore_mem>>
      %dma_start3A_29 = arith.constant 0 : i32
      %dma_start3A_30 = tpu.memref_slice %arg6[%add3A_16, %dma_start3A_29] : memref<8192x256xf32, #tpu.memory_space<hbm>> -> memref<128x256xf32, #tpu.memory_space<hbm>>
      %dma_start3A_31 = arith.constant 0 : i32
      %dma_start3A_32 = tpu.memref_slice %arg6[%add3A_16, %dma_start3A_31] : memref<8192x256xf32, #tpu.memory_space<hbm>> -> memref<128x256xf32, #tpu.memory_space<hbm>>
      tpu.enqueue_dma source(%arg8 : memref<128x256xf32, #tpu.memory_space<vmem>>) target(%dma_start3A_32 : memref<128x256xf32, #tpu.memory_space<hbm>>) target_semaphore(%run_scoped3A : memref<!tpu.dma_semaphore, #tpu.memory_space<semaphore_mem>>)
      %dma_wait3A_33 = arith.constant 0 : i32
      %dma_wait3A_34 = tpu.memref_slice %arg6[%add3A_16, %dma_wait3A_33] : memref<8192x256xf32, #tpu.memory_space<hbm>> -> memref<128x256xf32, #tpu.memory_space<hbm>>
      %dma_wait3A_35 = arith.constant 0 : i32
      %dma_wait3A_36 = tpu.memref_slice %arg6[%add3A_16, %dma_wait3A_35] : memref<8192x256xf32, #tpu.memory_space<hbm>> -> memref<128x256xf32, #tpu.memory_space<hbm>>
      tpu.wait_dma2 semaphore(%run_scoped3A : memref<!tpu.dma_semaphore, #tpu.memory_space<semaphore_mem>>) src(%arg8 : memref<128x256xf32, #tpu.memory_space<vmem>>) dst(%dma_wait3A_36 : memref<128x256xf32, #tpu.memory_space<hbm>>)
      tpu.yield
    }) : () -> ()
    return
  }
}

module attributes {stable_mosaic.version = 14 : i64} {
  func.func @_prologue_body(%arg0: i32, %arg1: memref<1024x256xf32, #tpu.memory_space<vmem>>, %arg2: memref<1024x256xf32, #tpu.memory_space<vmem>>, %arg3: memref<256x256xf32, #tpu.memory_space<vmem>>, %arg4: memref<1x256xf32, #tpu.memory_space<vmem>>, %arg5: memref<256x256xf32, #tpu.memory_space<vmem>>, %arg6: memref<1x256xf32, #tpu.memory_space<vmem>>, %arg7: memref<1024x256xf32, #tpu.memory_space<vmem>>, %arg8: memref<1024x256xf32, #tpu.memory_space<vmem>>) attributes {dimension_semantics = [#tpu.dimension_semantics<parallel>], iteration_bounds = array<i64: 8>, scalar_prefetch = 0 : i64, scratch_operands = 0 : i64, tpu.core_type = #tpu.core_type<tc>, window_params = [{transform_indices = @transform_0, window_bounds = array<i64: 1024, 256>}, {transform_indices = @transform_1, window_bounds = array<i64: 1024, 256>}, {pipeline_mode = #tpu.pipeline_mode<synchronous>, transform_indices = @transform_2, window_bounds = array<i64: 256, 256>}, {pipeline_mode = #tpu.pipeline_mode<synchronous>, transform_indices = @transform_3, window_bounds = array<i64: 1, 256>}, {pipeline_mode = #tpu.pipeline_mode<synchronous>, transform_indices = @transform_4, window_bounds = array<i64: 256, 256>}, {pipeline_mode = #tpu.pipeline_mode<synchronous>, transform_indices = @transform_5, window_bounds = array<i64: 1, 256>}, {transform_indices = @transform_6, window_bounds = array<i64: 1024, 256>}, {transform_indices = @transform_7, window_bounds = array<i64: 1024, 256>}]} {
    %get3A = arith.constant 0 : index
    %get3A_0 = arith.constant 0 : index
    %get3A_1 = vector.load %arg1[%get3A, %get3A_0] : memref<1024x256xf32, #tpu.memory_space<vmem>>, vector<1024x256xf32>
    %get3A_2 = arith.constant 0 : index
    %get3A_3 = arith.constant 0 : index
    %get3A_4 = vector.load %arg3[%get3A_2, %get3A_3] : memref<256x256xf32, #tpu.memory_space<vmem>>, vector<256x256xf32>
    %dot_general3A = arith.constant dense<0.000000e+00> : vector<1024x256xf32>
    %dot_general3A_5 = tpu.matmul %get3A_1, %get3A_4, %dot_general3A {dimension_numbers = #tpu.dot_dimension_numbers<[1], [1], [0], [0], [0, 0, 1, 0], [], []>, transpose_lhs_hint = false} : vector<1024x256xf32>, vector<256x256xf32>, vector<1024x256xf32> -> vector<1024x256xf32>
    %get3A_6 = arith.constant 0 : index
    %get3A_7 = arith.constant 0 : index
    %get3A_8 = vector.load %arg4[%get3A_6, %get3A_7] : memref<1x256xf32, #tpu.memory_space<vmem>>, vector<1x256xf32>
    %add3A = vector.broadcast %get3A_8 : vector<1x256xf32> to vector<1024x256xf32>
    %add3A_9 = arith.addf %dot_general3A_5, %add3A : vector<1024x256xf32>
    %mul3A = arith.constant 3.000000e+00 : f32
    %mul3A_10 = vector.broadcast %mul3A : f32 to vector<1024x256xf32>
    %mul3A_11 = arith.mulf %mul3A_10, %add3A_9 : vector<1024x256xf32>
    %tanh3A = math.tanh %mul3A_11 : vector<1024x256xf32>
    %swap3A = arith.constant 0 : index
    %swap3A_12 = arith.constant 0 : index
    %swap3A_13 = vector.load %arg7[%swap3A, %swap3A_12] : memref<1024x256xf32, #tpu.memory_space<vmem>>, vector<1024x256xf32>
    tpu.vector_store %arg7[%swap3A, %swap3A_12], %tanh3A {strides = array<i32>} : memref<1024x256xf32, #tpu.memory_space<vmem>>, vector<1024x256xf32>,
    %get3A_14 = arith.constant 0 : index
    %get3A_15 = arith.constant 0 : index
    %get3A_16 = vector.load %arg2[%get3A_14, %get3A_15] : memref<1024x256xf32, #tpu.memory_space<vmem>>, vector<1024x256xf32>
    %get3A_17 = arith.constant 0 : index
    %get3A_18 = arith.constant 0 : index
    %get3A_19 = vector.load %arg5[%get3A_17, %get3A_18] : memref<256x256xf32, #tpu.memory_space<vmem>>, vector<256x256xf32>
    %dot_general3A_20 = arith.constant dense<0.000000e+00> : vector<1024x256xf32>
    %dot_general3A_21 = tpu.matmul %get3A_16, %get3A_19, %dot_general3A_20 {dimension_numbers = #tpu.dot_dimension_numbers<[1], [1], [0], [0], [0, 0, 1, 0], [], []>, transpose_lhs_hint = false} : vector<1024x256xf32>, vector<256x256xf32>, vector<1024x256xf32> -> vector<1024x256xf32>
    %get3A_22 = arith.constant 0 : index
    %get3A_23 = arith.constant 0 : index
    %get3A_24 = vector.load %arg6[%get3A_22, %get3A_23] : memref<1x256xf32, #tpu.memory_space<vmem>>, vector<1x256xf32>
    %add3A_25 = vector.broadcast %get3A_24 : vector<1x256xf32> to vector<1024x256xf32>
    %add3A_26 = arith.addf %dot_general3A_21, %add3A_25 : vector<1024x256xf32>
    %mul3A_27 = arith.constant 3.000000e+00 : f32
    %mul3A_28 = vector.broadcast %mul3A_27 : f32 to vector<1024x256xf32>
    %mul3A_29 = arith.mulf %mul3A_28, %add3A_26 : vector<1024x256xf32>
    %tanh3A_30 = math.tanh %mul3A_29 : vector<1024x256xf32>
    %swap3A_31 = arith.constant 0 : index
    %swap3A_32 = arith.constant 0 : index
    %swap3A_33 = vector.load %arg8[%swap3A_31, %swap3A_32] : memref<1024x256xf32, #tpu.memory_space<vmem>>, vector<1024x256xf32>
    tpu.vector_store %arg8[%swap3A_31, %swap3A_32], %tanh3A_30 {strides = array<i32>} : memref<1024x256xf32, #tpu.memory_space<vmem>>, vector<1024x256xf32>,
    return
  }
  func.func @transform_0(%arg0: i32) -> (i32, i32) {
    %c0_i32 = arith.constant 0 : i32
    %c0_i32_0 = arith.constant 0 : i32
    return %arg0, %c0_i32 : i32, i32
  }
  func.func @transform_1(%arg0: i32) -> (i32, i32) {
    %c0_i32 = arith.constant 0 : i32
    %c0_i32_0 = arith.constant 0 : i32
    return %arg0, %c0_i32 : i32, i32
  }
  func.func @transform_2(%arg0: i32) -> (i32, i32) {
    %c0_i32 = arith.constant 0 : i32
    %c0_i32_0 = arith.constant 0 : i32
    %c0_i32_1 = arith.constant 0 : i32
    return %c0_i32, %c0_i32_0 : i32, i32
  }
  func.func @transform_3(%arg0: i32) -> (i32, i32) {
    %c0_i32 = arith.constant 0 : i32
    %c0_i32_0 = arith.constant 0 : i32
    %c0_i32_1 = arith.constant 0 : i32
    return %c0_i32, %c0_i32_0 : i32, i32
  }
  func.func @transform_4(%arg0: i32) -> (i32, i32) {
    %c0_i32 = arith.constant 0 : i32
    %c0_i32_0 = arith.constant 0 : i32
    %c0_i32_1 = arith.constant 0 : i32
    return %c0_i32, %c0_i32_0 : i32, i32
  }
  func.func @transform_5(%arg0: i32) -> (i32, i32) {
    %c0_i32 = arith.constant 0 : i32
    %c0_i32_0 = arith.constant 0 : i32
    %c0_i32_1 = arith.constant 0 : i32
    return %c0_i32, %c0_i32_0 : i32, i32
  }
  func.func @transform_6(%arg0: i32) -> (i32, i32) {
    %c0_i32 = arith.constant 0 : i32
    %c0_i32_0 = arith.constant 0 : i32
    return %arg0, %c0_i32 : i32, i32
  }
  func.func @transform_7(%arg0: i32) -> (i32, i32) {
    %c0_i32 = arith.constant 0 : i32
    %c0_i32_0 = arith.constant 0 : i32
    return %arg0, %c0_i32 : i32, i32
  }
}

module attributes {stable_mosaic.version = 14 : i64} {
  func.func @_main_body(%arg0: i32, %arg1: memref<8192x256xf32, #tpu.memory_space<vmem>>, %arg2: memref<8192x256xf32, #tpu.memory_space<vmem>>, %arg3: memref<128x8192xf32, #tpu.memory_space<vmem>>) attributes {dimension_semantics = [#tpu.dimension_semantics<parallel>], iteration_bounds = array<i64: 64>, scalar_prefetch = 0 : i64, scratch_operands = 0 : i64, tpu.core_type = #tpu.core_type<tc>, window_params = [{pipeline_mode = #tpu.pipeline_mode<synchronous>, transform_indices = @transform_0, window_bounds = array<i64: 8192, 256>}, {pipeline_mode = #tpu.pipeline_mode<synchronous>, transform_indices = @transform_1, window_bounds = array<i64: 8192, 256>}, {transform_indices = @transform_2, window_bounds = array<i64: 128, 8192>}]} {
    %mul3A = arith.constant 128 : i32
    %mul3A_0 = arith.muli %arg0, %mul3A : i32
    %get3A = arith.index_cast %mul3A_0 : i32 to index
    %get3A_1 = arith.constant 0 : index
    %get3A_2 = vector.load %arg1[%get3A, %get3A_1] : memref<8192x256xf32, #tpu.memory_space<vmem>>, vector<128x256xf32>
    %get3A_3 = arith.index_cast %mul3A_0 : i32 to index
    %get3A_4 = arith.constant 0 : index
    %get3A_5 = vector.load %arg2[%get3A_3, %get3A_4] : memref<8192x256xf32, #tpu.memory_space<vmem>>, vector<128x256xf32>
    %get3A_6 = arith.constant 0 : index
    %get3A_7 = arith.constant 0 : index
    %get3A_8 = vector.load %arg2[%get3A_6, %get3A_7] : memref<8192x256xf32, #tpu.memory_space<vmem>>, vector<8192x256xf32>
    %dot_general3A = arith.constant dense<0.000000e+00> : vector<128x8192xf32>
    %dot_general3A_9 = tpu.matmul %get3A_2, %get3A_8, %dot_general3A {dimension_numbers = #tpu.dot_dimension_numbers<[1], [1], [0], [0], [0, 0, 1, 0], [], []>, transpose_lhs_hint = false} : vector<128x256xf32>, vector<8192x256xf32>, vector<128x8192xf32> -> vector<128x8192xf32>
    %get3A_10 = arith.constant 0 : index
    %get3A_11 = arith.constant 0 : index
    %get3A_12 = vector.load %arg1[%get3A_10, %get3A_11] : memref<8192x256xf32, #tpu.memory_space<vmem>>, vector<8192x256xf32>
    %dot_general3A_13 = arith.constant dense<0.000000e+00> : vector<128x8192xf32>
    %dot_general3A_14 = tpu.matmul %get3A_5, %get3A_12, %dot_general3A_13 {dimension_numbers = #tpu.dot_dimension_numbers<[1], [1], [0], [0], [0, 0, 1, 0], [], []>, transpose_lhs_hint = false} : vector<128x256xf32>, vector<8192x256xf32>, vector<128x8192xf32> -> vector<128x8192xf32>
    %sub3A = arith.subf %dot_general3A_9, %dot_general3A_14 : vector<128x8192xf32>
    %mul3A_15 = arith.constant 3.000000e+00 : f32
    %mul3A_16 = vector.broadcast %mul3A_15 : f32 to vector<128x8192xf32>
    %mul3A_17 = arith.mulf %mul3A_16, %sub3A : vector<128x8192xf32>
    %tanh3A = math.tanh %mul3A_17 : vector<128x8192xf32>
    %max3A = arith.constant 0.000000e+00 : f32
    %max3A_18 = vector.broadcast %max3A : f32 to vector<128x8192xf32>
    %max3A_19 = arith.maximumf %tanh3A, %max3A_18 : vector<128x8192xf32>
    %iota3A = tpu.iota {dimensions = array<i32: 0>} : vector<128x8192xi32>
    %add3A = vector.broadcast %mul3A_0 : i32 to vector<128x8192xi32>
    %add3A_20 = arith.addi %add3A, %iota3A : vector<128x8192xi32>
    %iota3A_21 = tpu.iota {dimensions = array<i32: 1>} : vector<128x8192xi32>
    %mul3A_22 = arith.constant 8192 : i32
    %mul3A_23 = vector.broadcast %mul3A_22 : i32 to vector<128x8192xi32>
    %mul3A_24 = arith.muli %add3A_20, %mul3A_23 : vector<128x8192xi32>
    %add3A_25 = arith.addi %mul3A_24, %iota3A_21 : vector<128x8192xi32>
    %xor3A = arith.constant 0 : i32
    %xor3A_26 = arith.constant 42 : i32
    %xor3A_27 = arith.xori %xor3A, %xor3A_26 : i32
    %xor3A_28 = arith.constant 466688986 : i32
    %xor3A_29 = arith.xori %xor3A_27, %xor3A_28 : i32
    %add3A_30 = arith.constant 42 : i32
    %add3A_31 = vector.broadcast %add3A_30 : i32 to vector<128x8192xi32>
    %add3A_32 = arith.addi %add3A_25, %add3A_31 : vector<128x8192xi32>
    %shift_left3A = arith.constant 13 : i32
    %shift_left3A_33 = vector.broadcast %shift_left3A : i32 to vector<128x8192xi32>
    %shift_left3A_34 = arith.shli %add3A_32, %shift_left3A_33 : vector<128x8192xi32>
    %shift_right_arithmetic3A = arith.constant 19 : i32
    %shift_right_arithmetic3A_35 = vector.broadcast %shift_right_arithmetic3A : i32 to vector<128x8192xi32>
    %shift_right_arithmetic3A_36 = arith.shrsi %add3A_32, %shift_right_arithmetic3A_35 : vector<128x8192xi32>
    %and3A = arith.constant 8191 : i32
    %and3A_37 = vector.broadcast %and3A : i32 to vector<128x8192xi32>
    %and3A_38 = arith.andi %shift_right_arithmetic3A_36, %and3A_37 : vector<128x8192xi32>
    %or3A = arith.ori %shift_left3A_34, %and3A_38 : vector<128x8192xi32>
    %xor3A_39 = arith.xori %add3A_32, %or3A : vector<128x8192xi32>
    %add3A_40 = arith.addi %add3A_32, %xor3A_39 : vector<128x8192xi32>
    %shift_left3A_41 = arith.constant 15 : i32
    %shift_left3A_42 = vector.broadcast %shift_left3A_41 : i32 to vector<128x8192xi32>
    %shift_left3A_43 = arith.shli %xor3A_39, %shift_left3A_42 : vector<128x8192xi32>
    %shift_right_arithmetic3A_44 = arith.constant 17 : i32
    %shift_right_arithmetic3A_45 = vector.broadcast %shift_right_arithmetic3A_44 : i32 to vector<128x8192xi32>
    %shift_right_arithmetic3A_46 = arith.shrsi %xor3A_39, %shift_right_arithmetic3A_45 : vector<128x8192xi32>
    %and3A_47 = arith.constant 32767 : i32
    %and3A_48 = vector.broadcast %and3A_47 : i32 to vector<128x8192xi32>
    %and3A_49 = arith.andi %shift_right_arithmetic3A_46, %and3A_48 : vector<128x8192xi32>
    %or3A_50 = arith.ori %shift_left3A_43, %and3A_49 : vector<128x8192xi32>
    %xor3A_51 = arith.xori %add3A_40, %or3A_50 : vector<128x8192xi32>
    %add3A_52 = arith.addi %add3A_40, %xor3A_51 : vector<128x8192xi32>
    %shift_left3A_53 = arith.constant 26 : i32
    %shift_left3A_54 = vector.broadcast %shift_left3A_53 : i32 to vector<128x8192xi32>
    %shift_left3A_55 = arith.shli %xor3A_51, %shift_left3A_54 : vector<128x8192xi32>
    %shift_right_arithmetic3A_56 = arith.constant 6 : i32
    %shift_right_arithmetic3A_57 = vector.broadcast %shift_right_arithmetic3A_56 : i32 to vector<128x8192xi32>
    %shift_right_arithmetic3A_58 = arith.shrsi %xor3A_51, %shift_right_arithmetic3A_57 : vector<128x8192xi32>
    %and3A_59 = arith.constant 67108863 : i32
    %and3A_60 = vector.broadcast %and3A_59 : i32 to vector<128x8192xi32>
    %and3A_61 = arith.andi %shift_right_arithmetic3A_58, %and3A_60 : vector<128x8192xi32>
    %or3A_62 = arith.ori %shift_left3A_55, %and3A_61 : vector<128x8192xi32>
    %xor3A_63 = arith.xori %add3A_52, %or3A_62 : vector<128x8192xi32>
    %add3A_64 = arith.addi %add3A_52, %xor3A_63 : vector<128x8192xi32>
    %shift_left3A_65 = arith.constant 6 : i32
    %shift_left3A_66 = vector.broadcast %shift_left3A_65 : i32 to vector<128x8192xi32>
    %shift_left3A_67 = arith.shli %xor3A_63, %shift_left3A_66 : vector<128x8192xi32>
    %shift_right_arithmetic3A_68 = arith.constant 26 : i32
    %shift_right_arithmetic3A_69 = vector.broadcast %shift_right_arithmetic3A_68 : i32 to vector<128x8192xi32>
    %shift_right_arithmetic3A_70 = arith.shrsi %xor3A_63, %shift_right_arithmetic3A_69 : vector<128x8192xi32>
    %and3A_71 = arith.constant 63 : i32
    %and3A_72 = vector.broadcast %and3A_71 : i32 to vector<128x8192xi32>
    %and3A_73 = arith.andi %shift_right_arithmetic3A_70, %and3A_72 : vector<128x8192xi32>
    %or3A_74 = arith.ori %shift_left3A_67, %and3A_73 : vector<128x8192xi32>
    %xor3A_75 = arith.xori %add3A_64, %or3A_74 : vector<128x8192xi32>
    %add3A_76 = arith.constant 42 : i32
    %add3A_77 = vector.broadcast %add3A_76 : i32 to vector<128x8192xi32>
    %add3A_78 = arith.addi %add3A_64, %add3A_77 : vector<128x8192xi32>
    %add3A_79 = vector.broadcast %xor3A_29 : i32 to vector<128x8192xi32>
    %add3A_80 = arith.addi %xor3A_75, %add3A_79 : vector<128x8192xi32>
    %add3A_81 = arith.constant 1 : i32
    %add3A_82 = vector.broadcast %add3A_81 : i32 to vector<128x8192xi32>
    %add3A_83 = arith.addi %add3A_80, %add3A_82 : vector<128x8192xi32>
    %add3A_84 = arith.addi %add3A_78, %add3A_83 : vector<128x8192xi32>
    %shift_left3A_85 = arith.constant 17 : i32
    %shift_left3A_86 = vector.broadcast %shift_left3A_85 : i32 to vector<128x8192xi32>
    %shift_left3A_87 = arith.shli %add3A_83, %shift_left3A_86 : vector<128x8192xi32>
    %shift_right_arithmetic3A_88 = arith.constant 15 : i32
    %shift_right_arithmetic3A_89 = vector.broadcast %shift_right_arithmetic3A_88 : i32 to vector<128x8192xi32>
    %shift_right_arithmetic3A_90 = arith.shrsi %add3A_83, %shift_right_arithmetic3A_89 : vector<128x8192xi32>
    %and3A_91 = arith.constant 131071 : i32
    %and3A_92 = vector.broadcast %and3A_91 : i32 to vector<128x8192xi32>
    %and3A_93 = arith.andi %shift_right_arithmetic3A_90, %and3A_92 : vector<128x8192xi32>
    %or3A_94 = arith.ori %shift_left3A_87, %and3A_93 : vector<128x8192xi32>
    %xor3A_95 = arith.xori %add3A_84, %or3A_94 : vector<128x8192xi32>
    %add3A_96 = arith.addi %add3A_84, %xor3A_95 : vector<128x8192xi32>
    %shift_left3A_97 = arith.constant 29 : i32
    %shift_left3A_98 = vector.broadcast %shift_left3A_97 : i32 to vector<128x8192xi32>
    %shift_left3A_99 = arith.shli %xor3A_95, %shift_left3A_98 : vector<128x8192xi32>
    %shift_right_arithmetic3A_100 = arith.constant 3 : i32
    %shift_right_arithmetic3A_101 = vector.broadcast %shift_right_arithmetic3A_100 : i32 to vector<128x8192xi32>
    %shift_right_arithmetic3A_102 = arith.shrsi %xor3A_95, %shift_right_arithmetic3A_101 : vector<128x8192xi32>
    %and3A_103 = arith.constant 536870911 : i32
    %and3A_104 = vector.broadcast %and3A_103 : i32 to vector<128x8192xi32>
    %and3A_105 = arith.andi %shift_right_arithmetic3A_102, %and3A_104 : vector<128x8192xi32>
    %or3A_106 = arith.ori %shift_left3A_99, %and3A_105 : vector<128x8192xi32>
    %xor3A_107 = arith.xori %add3A_96, %or3A_106 : vector<128x8192xi32>
    %add3A_108 = arith.addi %add3A_96, %xor3A_107 : vector<128x8192xi32>
    %shift_left3A_109 = arith.constant 16 : i32
    %shift_left3A_110 = vector.broadcast %shift_left3A_109 : i32 to vector<128x8192xi32>
    %shift_left3A_111 = arith.shli %xor3A_107, %shift_left3A_110 : vector<128x8192xi32>
    %shift_right_arithmetic3A_112 = arith.constant 16 : i32
    %shift_right_arithmetic3A_113 = vector.broadcast %shift_right_arithmetic3A_112 : i32 to vector<128x8192xi32>
    %shift_right_arithmetic3A_114 = arith.shrsi %xor3A_107, %shift_right_arithmetic3A_113 : vector<128x8192xi32>
    %and3A_115 = arith.constant 65535 : i32
    %and3A_116 = vector.broadcast %and3A_115 : i32 to vector<128x8192xi32>
    %and3A_117 = arith.andi %shift_right_arithmetic3A_114, %and3A_116 : vector<128x8192xi32>
    %or3A_118 = arith.ori %shift_left3A_111, %and3A_117 : vector<128x8192xi32>
    %xor3A_119 = arith.xori %add3A_108, %or3A_118 : vector<128x8192xi32>
    %add3A_120 = arith.addi %add3A_108, %xor3A_119 : vector<128x8192xi32>
    %shift_left3A_121 = arith.constant 24 : i32
    %shift_left3A_122 = vector.broadcast %shift_left3A_121 : i32 to vector<128x8192xi32>
    %shift_left3A_123 = arith.shli %xor3A_119, %shift_left3A_122 : vector<128x8192xi32>
    %shift_right_arithmetic3A_124 = arith.constant 8 : i32
    %shift_right_arithmetic3A_125 = vector.broadcast %shift_right_arithmetic3A_124 : i32 to vector<128x8192xi32>
    %shift_right_arithmetic3A_126 = arith.shrsi %xor3A_119, %shift_right_arithmetic3A_125 : vector<128x8192xi32>
    %and3A_127 = arith.constant 16777215 : i32
    %and3A_128 = vector.broadcast %and3A_127 : i32 to vector<128x8192xi32>
    %and3A_129 = arith.andi %shift_right_arithmetic3A_126, %and3A_128 : vector<128x8192xi32>
    %or3A_130 = arith.ori %shift_left3A_123, %and3A_129 : vector<128x8192xi32>
    %xor3A_131 = arith.xori %add3A_120, %or3A_130 : vector<128x8192xi32>
    %add3A_132 = vector.broadcast %xor3A_29 : i32 to vector<128x8192xi32>
    %add3A_133 = arith.addi %add3A_120, %add3A_132 : vector<128x8192xi32>
    %add3A_134 = arith.constant 0 : i32
    %add3A_135 = vector.broadcast %add3A_134 : i32 to vector<128x8192xi32>
    %add3A_136 = arith.addi %xor3A_131, %add3A_135 : vector<128x8192xi32>
    %add3A_137 = arith.constant 2 : i32
    %add3A_138 = vector.broadcast %add3A_137 : i32 to vector<128x8192xi32>
    %add3A_139 = arith.addi %add3A_136, %add3A_138 : vector<128x8192xi32>
    %add3A_140 = arith.addi %add3A_133, %add3A_139 : vector<128x8192xi32>
    %shift_left3A_141 = arith.constant 13 : i32
    %shift_left3A_142 = vector.broadcast %shift_left3A_141 : i32 to vector<128x8192xi32>
    %shift_left3A_143 = arith.shli %add3A_139, %shift_left3A_142 : vector<128x8192xi32>
    %shift_right_arithmetic3A_144 = arith.constant 19 : i32
    %shift_right_arithmetic3A_145 = vector.broadcast %shift_right_arithmetic3A_144 : i32 to vector<128x8192xi32>
    %shift_right_arithmetic3A_146 = arith.shrsi %add3A_139, %shift_right_arithmetic3A_145 : vector<128x8192xi32>
    %and3A_147 = arith.constant 8191 : i32
    %and3A_148 = vector.broadcast %and3A_147 : i32 to vector<128x8192xi32>
    %and3A_149 = arith.andi %shift_right_arithmetic3A_146, %and3A_148 : vector<128x8192xi32>
    %or3A_150 = arith.ori %shift_left3A_143, %and3A_149 : vector<128x8192xi32>
    %xor3A_151 = arith.xori %add3A_140, %or3A_150 : vector<128x8192xi32>
    %add3A_152 = arith.addi %add3A_140, %xor3A_151 : vector<128x8192xi32>
    %shift_left3A_153 = arith.constant 15 : i32
    %shift_left3A_154 = vector.broadcast %shift_left3A_153 : i32 to vector<128x8192xi32>
    %shift_left3A_155 = arith.shli %xor3A_151, %shift_left3A_154 : vector<128x8192xi32>
    %shift_right_arithmetic3A_156 = arith.constant 17 : i32
    %shift_right_arithmetic3A_157 = vector.broadcast %shift_right_arithmetic3A_156 : i32 to vector<128x8192xi32>
    %shift_right_arithmetic3A_158 = arith.shrsi %xor3A_151, %shift_right_arithmetic3A_157 : vector<128x8192xi32>
    %and3A_159 = arith.constant 32767 : i32
    %and3A_160 = vector.broadcast %and3A_159 : i32 to vector<128x8192xi32>
    %and3A_161 = arith.andi %shift_right_arithmetic3A_158, %and3A_160 : vector<128x8192xi32>
    %or3A_162 = arith.ori %shift_left3A_155, %and3A_161 : vector<128x8192xi32>
    %xor3A_163 = arith.xori %add3A_152, %or3A_162 : vector<128x8192xi32>
    %add3A_164 = arith.addi %add3A_152, %xor3A_163 : vector<128x8192xi32>
    %shift_left3A_165 = arith.constant 26 : i32
    %shift_left3A_166 = vector.broadcast %shift_left3A_165 : i32 to vector<128x8192xi32>
    %shift_left3A_167 = arith.shli %xor3A_163, %shift_left3A_166 : vector<128x8192xi32>
    %shift_right_arithmetic3A_168 = arith.constant 6 : i32
    %shift_right_arithmetic3A_169 = vector.broadcast %shift_right_arithmetic3A_168 : i32 to vector<128x8192xi32>
    %shift_right_arithmetic3A_170 = arith.shrsi %xor3A_163, %shift_right_arithmetic3A_169 : vector<128x8192xi32>
    %and3A_171 = arith.constant 67108863 : i32
    %and3A_172 = vector.broadcast %and3A_171 : i32 to vector<128x8192xi32>
    %and3A_173 = arith.andi %shift_right_arithmetic3A_170, %and3A_172 : vector<128x8192xi32>
    %or3A_174 = arith.ori %shift_left3A_167, %and3A_173 : vector<128x8192xi32>
    %xor3A_175 = arith.xori %add3A_164, %or3A_174 : vector<128x8192xi32>
    %add3A_176 = arith.addi %add3A_164, %xor3A_175 : vector<128x8192xi32>
    %shift_left3A_177 = arith.constant 6 : i32
    %shift_left3A_178 = vector.broadcast %shift_left3A_177 : i32 to vector<128x8192xi32>
    %shift_left3A_179 = arith.shli %xor3A_175, %shift_left3A_178 : vector<128x8192xi32>
    %shift_right_arithmetic3A_180 = arith.constant 26 : i32
    %shift_right_arithmetic3A_181 = vector.broadcast %shift_right_arithmetic3A_180 : i32 to vector<128x8192xi32>
    %shift_right_arithmetic3A_182 = arith.shrsi %xor3A_175, %shift_right_arithmetic3A_181 : vector<128x8192xi32>
    %and3A_183 = arith.constant 63 : i32
    %and3A_184 = vector.broadcast %and3A_183 : i32 to vector<128x8192xi32>
    %and3A_185 = arith.andi %shift_right_arithmetic3A_182, %and3A_184 : vector<128x8192xi32>
    %or3A_186 = arith.ori %shift_left3A_179, %and3A_185 : vector<128x8192xi32>
    %xor3A_187 = arith.xori %add3A_176, %or3A_186 : vector<128x8192xi32>
    %add3A_188 = arith.constant 0 : i32
    %add3A_189 = vector.broadcast %add3A_188 : i32 to vector<128x8192xi32>
    %add3A_190 = arith.addi %add3A_176, %add3A_189 : vector<128x8192xi32>
    %add3A_191 = arith.constant 42 : i32
    %add3A_192 = vector.broadcast %add3A_191 : i32 to vector<128x8192xi32>
    %add3A_193 = arith.addi %xor3A_187, %add3A_192 : vector<128x8192xi32>
    %add3A_194 = arith.constant 3 : i32
    %add3A_195 = vector.broadcast %add3A_194 : i32 to vector<128x8192xi32>
    %add3A_196 = arith.addi %add3A_193, %add3A_195 : vector<128x8192xi32>
    %add3A_197 = arith.addi %add3A_190, %add3A_196 : vector<128x8192xi32>
    %shift_left3A_198 = arith.constant 17 : i32
    %shift_left3A_199 = vector.broadcast %shift_left3A_198 : i32 to vector<128x8192xi32>
    %shift_left3A_200 = arith.shli %add3A_196, %shift_left3A_199 : vector<128x8192xi32>
    %shift_right_arithmetic3A_201 = arith.constant 15 : i32
    %shift_right_arithmetic3A_202 = vector.broadcast %shift_right_arithmetic3A_201 : i32 to vector<128x8192xi32>
    %shift_right_arithmetic3A_203 = arith.shrsi %add3A_196, %shift_right_arithmetic3A_202 : vector<128x8192xi32>
    %and3A_204 = arith.constant 131071 : i32
    %and3A_205 = vector.broadcast %and3A_204 : i32 to vector<128x8192xi32>
    %and3A_206 = arith.andi %shift_right_arithmetic3A_203, %and3A_205 : vector<128x8192xi32>
    %or3A_207 = arith.ori %shift_left3A_200, %and3A_206 : vector<128x8192xi32>
    %xor3A_208 = arith.xori %add3A_197, %or3A_207 : vector<128x8192xi32>
    %add3A_209 = arith.addi %add3A_197, %xor3A_208 : vector<128x8192xi32>
    %shift_left3A_210 = arith.constant 29 : i32
    %shift_left3A_211 = vector.broadcast %shift_left3A_210 : i32 to vector<128x8192xi32>
    %shift_left3A_212 = arith.shli %xor3A_208, %shift_left3A_211 : vector<128x8192xi32>
    %shift_right_arithmetic3A_213 = arith.constant 3 : i32
    %shift_right_arithmetic3A_214 = vector.broadcast %shift_right_arithmetic3A_213 : i32 to vector<128x8192xi32>
    %shift_right_arithmetic3A_215 = arith.shrsi %xor3A_208, %shift_right_arithmetic3A_214 : vector<128x8192xi32>
    %and3A_216 = arith.constant 536870911 : i32
    %and3A_217 = vector.broadcast %and3A_216 : i32 to vector<128x8192xi32>
    %and3A_218 = arith.andi %shift_right_arithmetic3A_215, %and3A_217 : vector<128x8192xi32>
    %or3A_219 = arith.ori %shift_left3A_212, %and3A_218 : vector<128x8192xi32>
    %xor3A_220 = arith.xori %add3A_209, %or3A_219 : vector<128x8192xi32>
    %add3A_221 = arith.addi %add3A_209, %xor3A_220 : vector<128x8192xi32>
    %shift_left3A_222 = arith.constant 16 : i32
    %shift_left3A_223 = vector.broadcast %shift_left3A_222 : i32 to vector<128x8192xi32>
    %shift_left3A_224 = arith.shli %xor3A_220, %shift_left3A_223 : vector<128x8192xi32>
    %shift_right_arithmetic3A_225 = arith.constant 16 : i32
    %shift_right_arithmetic3A_226 = vector.broadcast %shift_right_arithmetic3A_225 : i32 to vector<128x8192xi32>
    %shift_right_arithmetic3A_227 = arith.shrsi %xor3A_220, %shift_right_arithmetic3A_226 : vector<128x8192xi32>
    %and3A_228 = arith.constant 65535 : i32
    %and3A_229 = vector.broadcast %and3A_228 : i32 to vector<128x8192xi32>
    %and3A_230 = arith.andi %shift_right_arithmetic3A_227, %and3A_229 : vector<128x8192xi32>
    %or3A_231 = arith.ori %shift_left3A_224, %and3A_230 : vector<128x8192xi32>
    %xor3A_232 = arith.xori %add3A_221, %or3A_231 : vector<128x8192xi32>
    %add3A_233 = arith.addi %add3A_221, %xor3A_232 : vector<128x8192xi32>
    %shift_left3A_234 = arith.constant 24 : i32
    %shift_left3A_235 = vector.broadcast %shift_left3A_234 : i32 to vector<128x8192xi32>
    %shift_left3A_236 = arith.shli %xor3A_232, %shift_left3A_235 : vector<128x8192xi32>
    %shift_right_arithmetic3A_237 = arith.constant 8 : i32
    %shift_right_arithmetic3A_238 = vector.broadcast %shift_right_arithmetic3A_237 : i32 to vector<128x8192xi32>
    %shift_right_arithmetic3A_239 = arith.shrsi %xor3A_232, %shift_right_arithmetic3A_238 : vector<128x8192xi32>
    %and3A_240 = arith.constant 16777215 : i32
    %and3A_241 = vector.broadcast %and3A_240 : i32 to vector<128x8192xi32>
    %and3A_242 = arith.andi %shift_right_arithmetic3A_239, %and3A_241 : vector<128x8192xi32>
    %or3A_243 = arith.ori %shift_left3A_236, %and3A_242 : vector<128x8192xi32>
    %xor3A_244 = arith.xori %add3A_233, %or3A_243 : vector<128x8192xi32>
    %add3A_245 = arith.constant 42 : i32
    %add3A_246 = vector.broadcast %add3A_245 : i32 to vector<128x8192xi32>
    %add3A_247 = arith.addi %add3A_233, %add3A_246 : vector<128x8192xi32>
    %add3A_248 = vector.broadcast %xor3A_29 : i32 to vector<128x8192xi32>
    %add3A_249 = arith.addi %xor3A_244, %add3A_248 : vector<128x8192xi32>
    %add3A_250 = arith.constant 4 : i32
    %add3A_251 = vector.broadcast %add3A_250 : i32 to vector<128x8192xi32>
    %add3A_252 = arith.addi %add3A_249, %add3A_251 : vector<128x8192xi32>
    %add3A_253 = arith.addi %add3A_247, %add3A_252 : vector<128x8192xi32>
    %shift_left3A_254 = arith.constant 13 : i32
    %shift_left3A_255 = vector.broadcast %shift_left3A_254 : i32 to vector<128x8192xi32>
    %shift_left3A_256 = arith.shli %add3A_252, %shift_left3A_255 : vector<128x8192xi32>
    %shift_right_arithmetic3A_257 = arith.constant 19 : i32
    %shift_right_arithmetic3A_258 = vector.broadcast %shift_right_arithmetic3A_257 : i32 to vector<128x8192xi32>
    %shift_right_arithmetic3A_259 = arith.shrsi %add3A_252, %shift_right_arithmetic3A_258 : vector<128x8192xi32>
    %and3A_260 = arith.constant 8191 : i32
    %and3A_261 = vector.broadcast %and3A_260 : i32 to vector<128x8192xi32>
    %and3A_262 = arith.andi %shift_right_arithmetic3A_259, %and3A_261 : vector<128x8192xi32>
    %or3A_263 = arith.ori %shift_left3A_256, %and3A_262 : vector<128x8192xi32>
    %xor3A_264 = arith.xori %add3A_253, %or3A_263 : vector<128x8192xi32>
    %add3A_265 = arith.addi %add3A_253, %xor3A_264 : vector<128x8192xi32>
    %shift_left3A_266 = arith.constant 15 : i32
    %shift_left3A_267 = vector.broadcast %shift_left3A_266 : i32 to vector<128x8192xi32>
    %shift_left3A_268 = arith.shli %xor3A_264, %shift_left3A_267 : vector<128x8192xi32>
    %shift_right_arithmetic3A_269 = arith.constant 17 : i32
    %shift_right_arithmetic3A_270 = vector.broadcast %shift_right_arithmetic3A_269 : i32 to vector<128x8192xi32>
    %shift_right_arithmetic3A_271 = arith.shrsi %xor3A_264, %shift_right_arithmetic3A_270 : vector<128x8192xi32>
    %and3A_272 = arith.constant 32767 : i32
    %and3A_273 = vector.broadcast %and3A_272 : i32 to vector<128x8192xi32>
    %and3A_274 = arith.andi %shift_right_arithmetic3A_271, %and3A_273 : vector<128x8192xi32>
    %or3A_275 = arith.ori %shift_left3A_268, %and3A_274 : vector<128x8192xi32>
    %xor3A_276 = arith.xori %add3A_265, %or3A_275 : vector<128x8192xi32>
    %add3A_277 = arith.addi %add3A_265, %xor3A_276 : vector<128x8192xi32>
    %shift_left3A_278 = arith.constant 26 : i32
    %shift_left3A_279 = vector.broadcast %shift_left3A_278 : i32 to vector<128x8192xi32>
    %shift_left3A_280 = arith.shli %xor3A_276, %shift_left3A_279 : vector<128x8192xi32>
    %shift_right_arithmetic3A_281 = arith.constant 6 : i32
    %shift_right_arithmetic3A_282 = vector.broadcast %shift_right_arithmetic3A_281 : i32 to vector<128x8192xi32>
    %shift_right_arithmetic3A_283 = arith.shrsi %xor3A_276, %shift_right_arithmetic3A_282 : vector<128x8192xi32>
    %and3A_284 = arith.constant 67108863 : i32
    %and3A_285 = vector.broadcast %and3A_284 : i32 to vector<128x8192xi32>
    %and3A_286 = arith.andi %shift_right_arithmetic3A_283, %and3A_285 : vector<128x8192xi32>
    %or3A_287 = arith.ori %shift_left3A_280, %and3A_286 : vector<128x8192xi32>
    %xor3A_288 = arith.xori %add3A_277, %or3A_287 : vector<128x8192xi32>
    %add3A_289 = arith.addi %add3A_277, %xor3A_288 : vector<128x8192xi32>
    %shift_left3A_290 = arith.constant 6 : i32
    %shift_left3A_291 = vector.broadcast %shift_left3A_290 : i32 to vector<128x8192xi32>
    %shift_left3A_292 = arith.shli %xor3A_288, %shift_left3A_291 : vector<128x8192xi32>
    %shift_right_arithmetic3A_293 = arith.constant 26 : i32
    %shift_right_arithmetic3A_294 = vector.broadcast %shift_right_arithmetic3A_293 : i32 to vector<128x8192xi32>
    %shift_right_arithmetic3A_295 = arith.shrsi %xor3A_288, %shift_right_arithmetic3A_294 : vector<128x8192xi32>
    %and3A_296 = arith.constant 63 : i32
    %and3A_297 = vector.broadcast %and3A_296 : i32 to vector<128x8192xi32>
    %and3A_298 = arith.andi %shift_right_arithmetic3A_295, %and3A_297 : vector<128x8192xi32>
    %or3A_299 = arith.ori %shift_left3A_292, %and3A_298 : vector<128x8192xi32>
    %xor3A_300 = arith.xori %add3A_289, %or3A_299 : vector<128x8192xi32>
    %add3A_301 = vector.broadcast %xor3A_29 : i32 to vector<128x8192xi32>
    %add3A_302 = arith.addi %add3A_289, %add3A_301 : vector<128x8192xi32>
    %add3A_303 = arith.constant 0 : i32
    %add3A_304 = vector.broadcast %add3A_303 : i32 to vector<128x8192xi32>
    %add3A_305 = arith.addi %xor3A_300, %add3A_304 : vector<128x8192xi32>
    %add3A_306 = arith.constant 5 : i32
    %add3A_307 = vector.broadcast %add3A_306 : i32 to vector<128x8192xi32>
    %add3A_308 = arith.addi %add3A_305, %add3A_307 : vector<128x8192xi32>
    %xor3A_309 = arith.xori %add3A_302, %add3A_308 : vector<128x8192xi32>
    %shift_right_arithmetic3A_310 = arith.constant 9 : i32
    %shift_right_arithmetic3A_311 = vector.broadcast %shift_right_arithmetic3A_310 : i32 to vector<128x8192xi32>
    %shift_right_arithmetic3A_312 = arith.shrsi %xor3A_309, %shift_right_arithmetic3A_311 : vector<128x8192xi32>
    %and3A_313 = arith.constant 8388607 : i32
    %and3A_314 = vector.broadcast %and3A_313 : i32 to vector<128x8192xi32>
    %and3A_315 = arith.andi %shift_right_arithmetic3A_312, %and3A_314 : vector<128x8192xi32>
    %or3A_316 = arith.constant 1065353216 : i32
    %or3A_317 = vector.broadcast %or3A_316 : i32 to vector<128x8192xi32>
    %or3A_318 = arith.ori %and3A_315, %or3A_317 : vector<128x8192xi32>
    %bitcast_convert_type3A = tpu.bitcast %or3A_318 : vector<128x8192xi32> -> vector<128x8192xf32>
    %sub3A_319 = arith.constant 1.000000e+00 : f32
    %sub3A_320 = vector.broadcast %sub3A_319 : f32 to vector<128x8192xf32>
    %sub3A_321 = arith.subf %bitcast_convert_type3A, %sub3A_320 : vector<128x8192xf32>
    %mul3A_322 = arith.constant 0.00999999977 : f32
    %mul3A_323 = vector.broadcast %mul3A_322 : f32 to vector<128x8192xf32>
    %mul3A_324 = arith.mulf %sub3A_321, %mul3A_323 : vector<128x8192xf32>
    %add3A_325 = arith.addf %max3A_19, %mul3A_324 : vector<128x8192xf32>
    %bitcast_convert_type3A_326 = tpu.bitcast %add3A_325 : vector<128x8192xf32> -> vector<128x8192xi32>
    %ge3A = arith.constant 1065353216 : i32
    %ge3A_327 = vector.broadcast %ge3A : i32 to vector<128x8192xi32>
    %ge3A_328 = arith.cmpi sge, %bitcast_convert_type3A_326, %ge3A_327 : vector<128x8192xi32>
    %convert_element_type3A = arith.extui %ge3A_328 : vector<128x8192xi1> to vector<128x8192xi32>
    %reduce_sum3A = arith.constant dense<0> : vector<128xi32>
    %reduce_sum3A_329 = vector.multi_reduction <add>, %convert_element_type3A, %reduce_sum3A [1] : vector<128x8192xi32> to vector<128xi32>
    %broadcast_in_dim3A = vector.shape_cast %reduce_sum3A_329 : vector<128xi32> to vector<128x1xi32>
    %ge3A_330 = arith.constant 32 : i32
    %ge3A_331 = vector.broadcast %ge3A_330 : i32 to vector<128x1xi32>
    %ge3A_332 = arith.cmpi sge, %broadcast_in_dim3A, %ge3A_331 : vector<128x1xi32>
    %jit3A = arith.constant 1065353216 : i32
    %jit3A_333 = arith.constant 0 : i32
    %broadcast_in_dim3A_334 = vector.broadcast %jit3A : i32 to vector<128x1xi32>
    %broadcast_in_dim3A_335 = vector.broadcast %jit3A_333 : i32 to vector<128x1xi32>
    %select_n3A = arith.select %ge3A_332, %broadcast_in_dim3A_334, %broadcast_in_dim3A_335 : vector<128x1xi1>, vector<128x1xi32>
    %sub3A_336 = arith.constant 1065353216 : i32
    %sub3A_337 = arith.constant 1 : i32
    %sub3A_338 = arith.subi %sub3A_336, %sub3A_337 : i32
    %jit3A_339 = arith.constant 1065437184 : i32
    %broadcast_in_dim3A_340 = vector.broadcast %jit3A_339 : i32 to vector<128x1xi32>
    %broadcast_in_dim3A_341 = vector.broadcast %sub3A_338 : i32 to vector<128x1xi32>
    %select_n3A_342 = arith.select %ge3A_332, %broadcast_in_dim3A_340, %broadcast_in_dim3A_341 : vector<128x1xi1>, vector<128x1xi32>
    %jit3A_343 = arith.constant 8192 : i32
    %broadcast_in_dim3A_344 = vector.broadcast %jit3A_343 : i32 to vector<128x1xi32>
    %select_n3A_345 = arith.select %ge3A_332, %broadcast_in_dim3A, %broadcast_in_dim3A_344 : vector<128x1xi1>, vector<128x1xi32>
    %broadcast_in_dim3A_346 = arith.constant 0 : i32
    %broadcast_in_dim3A_347 = vector.broadcast %broadcast_in_dim3A_346 : i32 to vector<128x1xi32>
    %select_n3A_348 = arith.select %ge3A_332, %broadcast_in_dim3A_347, %broadcast_in_dim3A : vector<128x1xi1>, vector<128x1xi32>
    %scan3A = arith.constant 0 : i32
    %add3A_349 = arith.addi %select_n3A, %select_n3A_342 : vector<128x1xi32>
    %add3A_350 = arith.constant 1 : i32
    %add3A_351 = vector.broadcast %add3A_350 : i32 to vector<128x1xi32>
    %add3A_352 = arith.addi %add3A_349, %add3A_351 : vector<128x1xi32>
    %shift_right_arithmetic3A_353 = arith.constant 1 : i32
    %shift_right_arithmetic3A_354 = vector.broadcast %shift_right_arithmetic3A_353 : i32 to vector<128x1xi32>
    %shift_right_arithmetic3A_355 = arith.shrsi %add3A_352, %shift_right_arithmetic3A_354 : vector<128x1xi32>
    %ge3A_356 = vector.broadcast %shift_right_arithmetic3A_355 : vector<128x1xi32> to vector<128x8192xi32>
    %ge3A_357 = arith.cmpi sge, %bitcast_convert_type3A_326, %ge3A_356 : vector<128x8192xi32>
    %convert_element_type3A_358 = arith.extui %ge3A_357 : vector<128x8192xi1> to vector<128x8192xi32>
    %reduce_sum3A_359 = arith.constant dense<0> : vector<128xi32>
    %reduce_sum3A_360 = vector.multi_reduction <add>, %convert_element_type3A_358, %reduce_sum3A_359 [1] : vector<128x8192xi32> to vector<128xi32>
    %broadcast_in_dim3A_361 = vector.shape_cast %reduce_sum3A_360 : vector<128xi32> to vector<128x1xi32>
    %ge3A_362 = arith.constant 32 : i32
    %ge3A_363 = vector.broadcast %ge3A_362 : i32 to vector<128x1xi32>
    %ge3A_364 = arith.cmpi sge, %broadcast_in_dim3A_361, %ge3A_363 : vector<128x1xi32>
    %select_n3A_365 = arith.select %ge3A_364, %shift_right_arithmetic3A_355, %select_n3A : vector<128x1xi1>, vector<128x1xi32>
    %select_n3A_366 = arith.select %ge3A_364, %broadcast_in_dim3A_361, %select_n3A_345 : vector<128x1xi1>, vector<128x1xi32>
    %sub3A_367 = arith.constant 1 : i32
    %sub3A_368 = vector.broadcast %sub3A_367 : i32 to vector<128x1xi32>
    %sub3A_369 = arith.subi %shift_right_arithmetic3A_355, %sub3A_368 : vector<128x1xi32>
    %select_n3A_370 = arith.select %ge3A_364, %select_n3A_342, %sub3A_369 : vector<128x1xi1>, vector<128x1xi32>
    %select_n3A_371 = arith.select %ge3A_364, %select_n3A_348, %broadcast_in_dim3A_361 : vector<128x1xi1>, vector<128x1xi32>
    %scan3A_372 = arith.constant 1 : i32
    %add3A_373 = arith.addi %select_n3A_365, %select_n3A_370 : vector<128x1xi32>
    %add3A_374 = arith.constant 1 : i32
    %add3A_375 = vector.broadcast %add3A_374 : i32 to vector<128x1xi32>
    %add3A_376 = arith.addi %add3A_373, %add3A_375 : vector<128x1xi32>
    %shift_right_arithmetic3A_377 = arith.constant 1 : i32
    %shift_right_arithmetic3A_378 = vector.broadcast %shift_right_arithmetic3A_377 : i32 to vector<128x1xi32>
    %shift_right_arithmetic3A_379 = arith.shrsi %add3A_376, %shift_right_arithmetic3A_378 : vector<128x1xi32>
    %ge3A_380 = vector.broadcast %shift_right_arithmetic3A_379 : vector<128x1xi32> to vector<128x8192xi32>
    %ge3A_381 = arith.cmpi sge, %bitcast_convert_type3A_326, %ge3A_380 : vector<128x8192xi32>
    %convert_element_type3A_382 = arith.extui %ge3A_381 : vector<128x8192xi1> to vector<128x8192xi32>
    %reduce_sum3A_383 = arith.constant dense<0> : vector<128xi32>
    %reduce_sum3A_384 = vector.multi_reduction <add>, %convert_element_type3A_382, %reduce_sum3A_383 [1] : vector<128x8192xi32> to vector<128xi32>
    %broadcast_in_dim3A_385 = vector.shape_cast %reduce_sum3A_384 : vector<128xi32> to vector<128x1xi32>
    %ge3A_386 = arith.constant 32 : i32
    %ge3A_387 = vector.broadcast %ge3A_386 : i32 to vector<128x1xi32>
    %ge3A_388 = arith.cmpi sge, %broadcast_in_dim3A_385, %ge3A_387 : vector<128x1xi32>
    %select_n3A_389 = arith.select %ge3A_388, %shift_right_arithmetic3A_379, %select_n3A_365 : vector<128x1xi1>, vector<128x1xi32>
    %select_n3A_390 = arith.select %ge3A_388, %broadcast_in_dim3A_385, %select_n3A_366 : vector<128x1xi1>, vector<128x1xi32>
    %sub3A_391 = arith.constant 1 : i32
    %sub3A_392 = vector.broadcast %sub3A_391 : i32 to vector<128x1xi32>
    %sub3A_393 = arith.subi %shift_right_arithmetic3A_379, %sub3A_392 : vector<128x1xi32>
    %select_n3A_394 = arith.select %ge3A_388, %select_n3A_370, %sub3A_393 : vector<128x1xi1>, vector<128x1xi32>
    %select_n3A_395 = arith.select %ge3A_388, %select_n3A_371, %broadcast_in_dim3A_385 : vector<128x1xi1>, vector<128x1xi32>
    %scan3A_396 = arith.constant 2 : i32
    %add3A_397 = arith.addi %select_n3A_389, %select_n3A_394 : vector<128x1xi32>
    %add3A_398 = arith.constant 1 : i32
    %add3A_399 = vector.broadcast %add3A_398 : i32 to vector<128x1xi32>
    %add3A_400 = arith.addi %add3A_397, %add3A_399 : vector<128x1xi32>
    %shift_right_arithmetic3A_401 = arith.constant 1 : i32
    %shift_right_arithmetic3A_402 = vector.broadcast %shift_right_arithmetic3A_401 : i32 to vector<128x1xi32>
    %shift_right_arithmetic3A_403 = arith.shrsi %add3A_400, %shift_right_arithmetic3A_402 : vector<128x1xi32>
    %ge3A_404 = vector.broadcast %shift_right_arithmetic3A_403 : vector<128x1xi32> to vector<128x8192xi32>
    %ge3A_405 = arith.cmpi sge, %bitcast_convert_type3A_326, %ge3A_404 : vector<128x8192xi32>
    %convert_element_type3A_406 = arith.extui %ge3A_405 : vector<128x8192xi1> to vector<128x8192xi32>
    %reduce_sum3A_407 = arith.constant dense<0> : vector<128xi32>
    %reduce_sum3A_408 = vector.multi_reduction <add>, %convert_element_type3A_406, %reduce_sum3A_407 [1] : vector<128x8192xi32> to vector<128xi32>
    %broadcast_in_dim3A_409 = vector.shape_cast %reduce_sum3A_408 : vector<128xi32> to vector<128x1xi32>
    %ge3A_410 = arith.constant 32 : i32
    %ge3A_411 = vector.broadcast %ge3A_410 : i32 to vector<128x1xi32>
    %ge3A_412 = arith.cmpi sge, %broadcast_in_dim3A_409, %ge3A_411 : vector<128x1xi32>
    %select_n3A_413 = arith.select %ge3A_412, %shift_right_arithmetic3A_403, %select_n3A_389 : vector<128x1xi1>, vector<128x1xi32>
    %select_n3A_414 = arith.select %ge3A_412, %broadcast_in_dim3A_409, %select_n3A_390 : vector<128x1xi1>, vector<128x1xi32>
    %sub3A_415 = arith.constant 1 : i32
    %sub3A_416 = vector.broadcast %sub3A_415 : i32 to vector<128x1xi32>
    %sub3A_417 = arith.subi %shift_right_arithmetic3A_403, %sub3A_416 : vector<128x1xi32>
    %select_n3A_418 = arith.select %ge3A_412, %select_n3A_394, %sub3A_417 : vector<128x1xi1>, vector<128x1xi32>
    %select_n3A_419 = arith.select %ge3A_412, %select_n3A_395, %broadcast_in_dim3A_409 : vector<128x1xi1>, vector<128x1xi32>
    %scan3A_420 = arith.constant 3 : i32
    %add3A_421 = arith.addi %select_n3A_413, %select_n3A_418 : vector<128x1xi32>
    %add3A_422 = arith.constant 1 : i32
    %add3A_423 = vector.broadcast %add3A_422 : i32 to vector<128x1xi32>
    %add3A_424 = arith.addi %add3A_421, %add3A_423 : vector<128x1xi32>
    %shift_right_arithmetic3A_425 = arith.constant 1 : i32
    %shift_right_arithmetic3A_426 = vector.broadcast %shift_right_arithmetic3A_425 : i32 to vector<128x1xi32>
    %shift_right_arithmetic3A_427 = arith.shrsi %add3A_424, %shift_right_arithmetic3A_426 : vector<128x1xi32>
    %ge3A_428 = vector.broadcast %shift_right_arithmetic3A_427 : vector<128x1xi32> to vector<128x8192xi32>
    %ge3A_429 = arith.cmpi sge, %bitcast_convert_type3A_326, %ge3A_428 : vector<128x8192xi32>
    %convert_element_type3A_430 = arith.extui %ge3A_429 : vector<128x8192xi1> to vector<128x8192xi32>
    %reduce_sum3A_431 = arith.constant dense<0> : vector<128xi32>
    %reduce_sum3A_432 = vector.multi_reduction <add>, %convert_element_type3A_430, %reduce_sum3A_431 [1] : vector<128x8192xi32> to vector<128xi32>
    %broadcast_in_dim3A_433 = vector.shape_cast %reduce_sum3A_432 : vector<128xi32> to vector<128x1xi32>
    %ge3A_434 = arith.constant 32 : i32
    %ge3A_435 = vector.broadcast %ge3A_434 : i32 to vector<128x1xi32>
    %ge3A_436 = arith.cmpi sge, %broadcast_in_dim3A_433, %ge3A_435 : vector<128x1xi32>
    %select_n3A_437 = arith.select %ge3A_436, %shift_right_arithmetic3A_427, %select_n3A_413 : vector<128x1xi1>, vector<128x1xi32>
    %select_n3A_438 = arith.select %ge3A_436, %broadcast_in_dim3A_433, %select_n3A_414 : vector<128x1xi1>, vector<128x1xi32>
    %sub3A_439 = arith.constant 1 : i32
    %sub3A_440 = vector.broadcast %sub3A_439 : i32 to vector<128x1xi32>
    %sub3A_441 = arith.subi %shift_right_arithmetic3A_427, %sub3A_440 : vector<128x1xi32>
    %select_n3A_442 = arith.select %ge3A_436, %select_n3A_418, %sub3A_441 : vector<128x1xi1>, vector<128x1xi32>
    %select_n3A_443 = arith.select %ge3A_436, %select_n3A_419, %broadcast_in_dim3A_433 : vector<128x1xi1>, vector<128x1xi32>
    %scan3A_444 = arith.constant 4 : i32
    %add3A_445 = arith.addi %select_n3A_437, %select_n3A_442 : vector<128x1xi32>
    %add3A_446 = arith.constant 1 : i32
    %add3A_447 = vector.broadcast %add3A_446 : i32 to vector<128x1xi32>
    %add3A_448 = arith.addi %add3A_445, %add3A_447 : vector<128x1xi32>
    %shift_right_arithmetic3A_449 = arith.constant 1 : i32
    %shift_right_arithmetic3A_450 = vector.broadcast %shift_right_arithmetic3A_449 : i32 to vector<128x1xi32>
    %shift_right_arithmetic3A_451 = arith.shrsi %add3A_448, %shift_right_arithmetic3A_450 : vector<128x1xi32>
    %ge3A_452 = vector.broadcast %shift_right_arithmetic3A_451 : vector<128x1xi32> to vector<128x8192xi32>
    %ge3A_453 = arith.cmpi sge, %bitcast_convert_type3A_326, %ge3A_452 : vector<128x8192xi32>
    %convert_element_type3A_454 = arith.extui %ge3A_453 : vector<128x8192xi1> to vector<128x8192xi32>
    %reduce_sum3A_455 = arith.constant dense<0> : vector<128xi32>
    %reduce_sum3A_456 = vector.multi_reduction <add>, %convert_element_type3A_454, %reduce_sum3A_455 [1] : vector<128x8192xi32> to vector<128xi32>
    %broadcast_in_dim3A_457 = vector.shape_cast %reduce_sum3A_456 : vector<128xi32> to vector<128x1xi32>
    %ge3A_458 = arith.constant 32 : i32
    %ge3A_459 = vector.broadcast %ge3A_458 : i32 to vector<128x1xi32>
    %ge3A_460 = arith.cmpi sge, %broadcast_in_dim3A_457, %ge3A_459 : vector<128x1xi32>
    %select_n3A_461 = arith.select %ge3A_460, %shift_right_arithmetic3A_451, %select_n3A_437 : vector<128x1xi1>, vector<128x1xi32>
    %select_n3A_462 = arith.select %ge3A_460, %broadcast_in_dim3A_457, %select_n3A_438 : vector<128x1xi1>, vector<128x1xi32>
    %sub3A_463 = arith.constant 1 : i32
    %sub3A_464 = vector.broadcast %sub3A_463 : i32 to vector<128x1xi32>
    %sub3A_465 = arith.subi %shift_right_arithmetic3A_451, %sub3A_464 : vector<128x1xi32>
    %select_n3A_466 = arith.select %ge3A_460, %select_n3A_442, %sub3A_465 : vector<128x1xi1>, vector<128x1xi32>
    %select_n3A_467 = arith.select %ge3A_460, %select_n3A_443, %broadcast_in_dim3A_457 : vector<128x1xi1>, vector<128x1xi32>
    %scan3A_468 = arith.constant 5 : i32
    %add3A_469 = arith.addi %select_n3A_461, %select_n3A_466 : vector<128x1xi32>
    %add3A_470 = arith.constant 1 : i32
    %add3A_471 = vector.broadcast %add3A_470 : i32 to vector<128x1xi32>
    %add3A_472 = arith.addi %add3A_469, %add3A_471 : vector<128x1xi32>
    %shift_right_arithmetic3A_473 = arith.constant 1 : i32
    %shift_right_arithmetic3A_474 = vector.broadcast %shift_right_arithmetic3A_473 : i32 to vector<128x1xi32>
    %shift_right_arithmetic3A_475 = arith.shrsi %add3A_472, %shift_right_arithmetic3A_474 : vector<128x1xi32>
    %ge3A_476 = vector.broadcast %shift_right_arithmetic3A_475 : vector<128x1xi32> to vector<128x8192xi32>
    %ge3A_477 = arith.cmpi sge, %bitcast_convert_type3A_326, %ge3A_476 : vector<128x8192xi32>
    %convert_element_type3A_478 = arith.extui %ge3A_477 : vector<128x8192xi1> to vector<128x8192xi32>
    %reduce_sum3A_479 = arith.constant dense<0> : vector<128xi32>
    %reduce_sum3A_480 = vector.multi_reduction <add>, %convert_element_type3A_478, %reduce_sum3A_479 [1] : vector<128x8192xi32> to vector<128xi32>
    %broadcast_in_dim3A_481 = vector.shape_cast %reduce_sum3A_480 : vector<128xi32> to vector<128x1xi32>
    %ge3A_482 = arith.constant 32 : i32
    %ge3A_483 = vector.broadcast %ge3A_482 : i32 to vector<128x1xi32>
    %ge3A_484 = arith.cmpi sge, %broadcast_in_dim3A_481, %ge3A_483 : vector<128x1xi32>
    %select_n3A_485 = arith.select %ge3A_484, %shift_right_arithmetic3A_475, %select_n3A_461 : vector<128x1xi1>, vector<128x1xi32>
    %select_n3A_486 = arith.select %ge3A_484, %broadcast_in_dim3A_481, %select_n3A_462 : vector<128x1xi1>, vector<128x1xi32>
    %sub3A_487 = arith.constant 1 : i32
    %sub3A_488 = vector.broadcast %sub3A_487 : i32 to vector<128x1xi32>
    %sub3A_489 = arith.subi %shift_right_arithmetic3A_475, %sub3A_488 : vector<128x1xi32>
    %select_n3A_490 = arith.select %ge3A_484, %select_n3A_466, %sub3A_489 : vector<128x1xi1>, vector<128x1xi32>
    %select_n3A_491 = arith.select %ge3A_484, %select_n3A_467, %broadcast_in_dim3A_481 : vector<128x1xi1>, vector<128x1xi32>
    %scan3A_492 = arith.constant 6 : i32
    %add3A_493 = arith.addi %select_n3A_485, %select_n3A_490 : vector<128x1xi32>
    %add3A_494 = arith.constant 1 : i32
    %add3A_495 = vector.broadcast %add3A_494 : i32 to vector<128x1xi32>
    %add3A_496 = arith.addi %add3A_493, %add3A_495 : vector<128x1xi32>
    %shift_right_arithmetic3A_497 = arith.constant 1 : i32
    %shift_right_arithmetic3A_498 = vector.broadcast %shift_right_arithmetic3A_497 : i32 to vector<128x1xi32>
    %shift_right_arithmetic3A_499 = arith.shrsi %add3A_496, %shift_right_arithmetic3A_498 : vector<128x1xi32>
    %ge3A_500 = vector.broadcast %shift_right_arithmetic3A_499 : vector<128x1xi32> to vector<128x8192xi32>
    %ge3A_501 = arith.cmpi sge, %bitcast_convert_type3A_326, %ge3A_500 : vector<128x8192xi32>
    %convert_element_type3A_502 = arith.extui %ge3A_501 : vector<128x8192xi1> to vector<128x8192xi32>
    %reduce_sum3A_503 = arith.constant dense<0> : vector<128xi32>
    %reduce_sum3A_504 = vector.multi_reduction <add>, %convert_element_type3A_502, %reduce_sum3A_503 [1] : vector<128x8192xi32> to vector<128xi32>
    %broadcast_in_dim3A_505 = vector.shape_cast %reduce_sum3A_504 : vector<128xi32> to vector<128x1xi32>
    %ge3A_506 = arith.constant 32 : i32
    %ge3A_507 = vector.broadcast %ge3A_506 : i32 to vector<128x1xi32>
    %ge3A_508 = arith.cmpi sge, %broadcast_in_dim3A_505, %ge3A_507 : vector<128x1xi32>
    %select_n3A_509 = arith.select %ge3A_508, %shift_right_arithmetic3A_499, %select_n3A_485 : vector<128x1xi1>, vector<128x1xi32>
    %select_n3A_510 = arith.select %ge3A_508, %broadcast_in_dim3A_505, %select_n3A_486 : vector<128x1xi1>, vector<128x1xi32>
    %sub3A_511 = arith.constant 1 : i32
    %sub3A_512 = vector.broadcast %sub3A_511 : i32 to vector<128x1xi32>
    %sub3A_513 = arith.subi %shift_right_arithmetic3A_499, %sub3A_512 : vector<128x1xi32>
    %select_n3A_514 = arith.select %ge3A_508, %select_n3A_490, %sub3A_513 : vector<128x1xi1>, vector<128x1xi32>
    %select_n3A_515 = arith.select %ge3A_508, %select_n3A_491, %broadcast_in_dim3A_505 : vector<128x1xi1>, vector<128x1xi32>
    %scan3A_516 = arith.constant 7 : i32
    %add3A_517 = arith.addi %select_n3A_509, %select_n3A_514 : vector<128x1xi32>
    %add3A_518 = arith.constant 1 : i32
    %add3A_519 = vector.broadcast %add3A_518 : i32 to vector<128x1xi32>
    %add3A_520 = arith.addi %add3A_517, %add3A_519 : vector<128x1xi32>
    %shift_right_arithmetic3A_521 = arith.constant 1 : i32
    %shift_right_arithmetic3A_522 = vector.broadcast %shift_right_arithmetic3A_521 : i32 to vector<128x1xi32>
    %shift_right_arithmetic3A_523 = arith.shrsi %add3A_520, %shift_right_arithmetic3A_522 : vector<128x1xi32>
    %ge3A_524 = vector.broadcast %shift_right_arithmetic3A_523 : vector<128x1xi32> to vector<128x8192xi32>
    %ge3A_525 = arith.cmpi sge, %bitcast_convert_type3A_326, %ge3A_524 : vector<128x8192xi32>
    %convert_element_type3A_526 = arith.extui %ge3A_525 : vector<128x8192xi1> to vector<128x8192xi32>
    %reduce_sum3A_527 = arith.constant dense<0> : vector<128xi32>
    %reduce_sum3A_528 = vector.multi_reduction <add>, %convert_element_type3A_526, %reduce_sum3A_527 [1] : vector<128x8192xi32> to vector<128xi32>
    %broadcast_in_dim3A_529 = vector.shape_cast %reduce_sum3A_528 : vector<128xi32> to vector<128x1xi32>
    %ge3A_530 = arith.constant 32 : i32
    %ge3A_531 = vector.broadcast %ge3A_530 : i32 to vector<128x1xi32>
    %ge3A_532 = arith.cmpi sge, %broadcast_in_dim3A_529, %ge3A_531 : vector<128x1xi32>
    %select_n3A_533 = arith.select %ge3A_532, %shift_right_arithmetic3A_523, %select_n3A_509 : vector<128x1xi1>, vector<128x1xi32>
    %select_n3A_534 = arith.select %ge3A_532, %broadcast_in_dim3A_529, %select_n3A_510 : vector<128x1xi1>, vector<128x1xi32>
    %sub3A_535 = arith.constant 1 : i32
    %sub3A_536 = vector.broadcast %sub3A_535 : i32 to vector<128x1xi32>
    %sub3A_537 = arith.subi %shift_right_arithmetic3A_523, %sub3A_536 : vector<128x1xi32>
    %select_n3A_538 = arith.select %ge3A_532, %select_n3A_514, %sub3A_537 : vector<128x1xi1>, vector<128x1xi32>
    %select_n3A_539 = arith.select %ge3A_532, %select_n3A_515, %broadcast_in_dim3A_529 : vector<128x1xi1>, vector<128x1xi32>
    %scan3A_540 = arith.constant 8 : i32
    %add3A_541 = arith.addi %select_n3A_533, %select_n3A_538 : vector<128x1xi32>
    %add3A_542 = arith.constant 1 : i32
    %add3A_543 = vector.broadcast %add3A_542 : i32 to vector<128x1xi32>
    %add3A_544 = arith.addi %add3A_541, %add3A_543 : vector<128x1xi32>
    %shift_right_arithmetic3A_545 = arith.constant 1 : i32
    %shift_right_arithmetic3A_546 = vector.broadcast %shift_right_arithmetic3A_545 : i32 to vector<128x1xi32>
    %shift_right_arithmetic3A_547 = arith.shrsi %add3A_544, %shift_right_arithmetic3A_546 : vector<128x1xi32>
    %ge3A_548 = vector.broadcast %shift_right_arithmetic3A_547 : vector<128x1xi32> to vector<128x8192xi32>
    %ge3A_549 = arith.cmpi sge, %bitcast_convert_type3A_326, %ge3A_548 : vector<128x8192xi32>
    %convert_element_type3A_550 = arith.extui %ge3A_549 : vector<128x8192xi1> to vector<128x8192xi32>
    %reduce_sum3A_551 = arith.constant dense<0> : vector<128xi32>
    %reduce_sum3A_552 = vector.multi_reduction <add>, %convert_element_type3A_550, %reduce_sum3A_551 [1] : vector<128x8192xi32> to vector<128xi32>
    %broadcast_in_dim3A_553 = vector.shape_cast %reduce_sum3A_552 : vector<128xi32> to vector<128x1xi32>
    %ge3A_554 = arith.constant 32 : i32
    %ge3A_555 = vector.broadcast %ge3A_554 : i32 to vector<128x1xi32>
    %ge3A_556 = arith.cmpi sge, %broadcast_in_dim3A_553, %ge3A_555 : vector<128x1xi32>
    %select_n3A_557 = arith.select %ge3A_556, %shift_right_arithmetic3A_547, %select_n3A_533 : vector<128x1xi1>, vector<128x1xi32>
    %select_n3A_558 = arith.select %ge3A_556, %broadcast_in_dim3A_553, %select_n3A_534 : vector<128x1xi1>, vector<128x1xi32>
    %sub3A_559 = arith.constant 1 : i32
    %sub3A_560 = vector.broadcast %sub3A_559 : i32 to vector<128x1xi32>
    %sub3A_561 = arith.subi %shift_right_arithmetic3A_547, %sub3A_560 : vector<128x1xi32>
    %select_n3A_562 = arith.select %ge3A_556, %select_n3A_538, %sub3A_561 : vector<128x1xi1>, vector<128x1xi32>
    %select_n3A_563 = arith.select %ge3A_556, %select_n3A_539, %broadcast_in_dim3A_553 : vector<128x1xi1>, vector<128x1xi32>
    %scan3A_564 = arith.constant 9 : i32
    %add3A_565 = arith.addi %select_n3A_557, %select_n3A_562 : vector<128x1xi32>
    %add3A_566 = arith.constant 1 : i32
    %add3A_567 = vector.broadcast %add3A_566 : i32 to vector<128x1xi32>
    %add3A_568 = arith.addi %add3A_565, %add3A_567 : vector<128x1xi32>
    %shift_right_arithmetic3A_569 = arith.constant 1 : i32
    %shift_right_arithmetic3A_570 = vector.broadcast %shift_right_arithmetic3A_569 : i32 to vector<128x1xi32>
    %shift_right_arithmetic3A_571 = arith.shrsi %add3A_568, %shift_right_arithmetic3A_570 : vector<128x1xi32>
    %ge3A_572 = vector.broadcast %shift_right_arithmetic3A_571 : vector<128x1xi32> to vector<128x8192xi32>
    %ge3A_573 = arith.cmpi sge, %bitcast_convert_type3A_326, %ge3A_572 : vector<128x8192xi32>
    %convert_element_type3A_574 = arith.extui %ge3A_573 : vector<128x8192xi1> to vector<128x8192xi32>
    %reduce_sum3A_575 = arith.constant dense<0> : vector<128xi32>
    %reduce_sum3A_576 = vector.multi_reduction <add>, %convert_element_type3A_574, %reduce_sum3A_575 [1] : vector<128x8192xi32> to vector<128xi32>
    %broadcast_in_dim3A_577 = vector.shape_cast %reduce_sum3A_576 : vector<128xi32> to vector<128x1xi32>
    %ge3A_578 = arith.constant 32 : i32
    %ge3A_579 = vector.broadcast %ge3A_578 : i32 to vector<128x1xi32>
    %ge3A_580 = arith.cmpi sge, %broadcast_in_dim3A_577, %ge3A_579 : vector<128x1xi32>
    %select_n3A_581 = arith.select %ge3A_580, %shift_right_arithmetic3A_571, %select_n3A_557 : vector<128x1xi1>, vector<128x1xi32>
    %select_n3A_582 = arith.select %ge3A_580, %broadcast_in_dim3A_577, %select_n3A_558 : vector<128x1xi1>, vector<128x1xi32>
    %sub3A_583 = arith.constant 1 : i32
    %sub3A_584 = vector.broadcast %sub3A_583 : i32 to vector<128x1xi32>
    %sub3A_585 = arith.subi %shift_right_arithmetic3A_571, %sub3A_584 : vector<128x1xi32>
    %select_n3A_586 = arith.select %ge3A_580, %select_n3A_562, %sub3A_585 : vector<128x1xi1>, vector<128x1xi32>
    %select_n3A_587 = arith.select %ge3A_580, %select_n3A_563, %broadcast_in_dim3A_577 : vector<128x1xi1>, vector<128x1xi32>
    %scan3A_588 = arith.constant 10 : i32
    %add3A_589 = arith.addi %select_n3A_581, %select_n3A_586 : vector<128x1xi32>
    %add3A_590 = arith.constant 1 : i32
    %add3A_591 = vector.broadcast %add3A_590 : i32 to vector<128x1xi32>
    %add3A_592 = arith.addi %add3A_589, %add3A_591 : vector<128x1xi32>
    %shift_right_arithmetic3A_593 = arith.constant 1 : i32
    %shift_right_arithmetic3A_594 = vector.broadcast %shift_right_arithmetic3A_593 : i32 to vector<128x1xi32>
    %shift_right_arithmetic3A_595 = arith.shrsi %add3A_592, %shift_right_arithmetic3A_594 : vector<128x1xi32>
    %ge3A_596 = vector.broadcast %shift_right_arithmetic3A_595 : vector<128x1xi32> to vector<128x8192xi32>
    %ge3A_597 = arith.cmpi sge, %bitcast_convert_type3A_326, %ge3A_596 : vector<128x8192xi32>
    %convert_element_type3A_598 = arith.extui %ge3A_597 : vector<128x8192xi1> to vector<128x8192xi32>
    %reduce_sum3A_599 = arith.constant dense<0> : vector<128xi32>
    %reduce_sum3A_600 = vector.multi_reduction <add>, %convert_element_type3A_598, %reduce_sum3A_599 [1] : vector<128x8192xi32> to vector<128xi32>
    %broadcast_in_dim3A_601 = vector.shape_cast %reduce_sum3A_600 : vector<128xi32> to vector<128x1xi32>
    %ge3A_602 = arith.constant 32 : i32
    %ge3A_603 = vector.broadcast %ge3A_602 : i32 to vector<128x1xi32>
    %ge3A_604 = arith.cmpi sge, %broadcast_in_dim3A_601, %ge3A_603 : vector<128x1xi32>
    %select_n3A_605 = arith.select %ge3A_604, %shift_right_arithmetic3A_595, %select_n3A_581 : vector<128x1xi1>, vector<128x1xi32>
    %select_n3A_606 = arith.select %ge3A_604, %broadcast_in_dim3A_601, %select_n3A_582 : vector<128x1xi1>, vector<128x1xi32>
    %sub3A_607 = arith.constant 1 : i32
    %sub3A_608 = vector.broadcast %sub3A_607 : i32 to vector<128x1xi32>
    %sub3A_609 = arith.subi %shift_right_arithmetic3A_595, %sub3A_608 : vector<128x1xi32>
    %select_n3A_610 = arith.select %ge3A_604, %select_n3A_586, %sub3A_609 : vector<128x1xi1>, vector<128x1xi32>
    %select_n3A_611 = arith.select %ge3A_604, %select_n3A_587, %broadcast_in_dim3A_601 : vector<128x1xi1>, vector<128x1xi32>
    %scan3A_612 = arith.constant 11 : i32
    %add3A_613 = arith.addi %select_n3A_605, %select_n3A_610 : vector<128x1xi32>
    %add3A_614 = arith.constant 1 : i32
    %add3A_615 = vector.broadcast %add3A_614 : i32 to vector<128x1xi32>
    %add3A_616 = arith.addi %add3A_613, %add3A_615 : vector<128x1xi32>
    %shift_right_arithmetic3A_617 = arith.constant 1 : i32
    %shift_right_arithmetic3A_618 = vector.broadcast %shift_right_arithmetic3A_617 : i32 to vector<128x1xi32>
    %shift_right_arithmetic3A_619 = arith.shrsi %add3A_616, %shift_right_arithmetic3A_618 : vector<128x1xi32>
    %ge3A_620 = vector.broadcast %shift_right_arithmetic3A_619 : vector<128x1xi32> to vector<128x8192xi32>
    %ge3A_621 = arith.cmpi sge, %bitcast_convert_type3A_326, %ge3A_620 : vector<128x8192xi32>
    %convert_element_type3A_622 = arith.extui %ge3A_621 : vector<128x8192xi1> to vector<128x8192xi32>
    %reduce_sum3A_623 = arith.constant dense<0> : vector<128xi32>
    %reduce_sum3A_624 = vector.multi_reduction <add>, %convert_element_type3A_622, %reduce_sum3A_623 [1] : vector<128x8192xi32> to vector<128xi32>
    %broadcast_in_dim3A_625 = vector.shape_cast %reduce_sum3A_624 : vector<128xi32> to vector<128x1xi32>
    %ge3A_626 = arith.constant 32 : i32
    %ge3A_627 = vector.broadcast %ge3A_626 : i32 to vector<128x1xi32>
    %ge3A_628 = arith.cmpi sge, %broadcast_in_dim3A_625, %ge3A_627 : vector<128x1xi32>
    %select_n3A_629 = arith.select %ge3A_628, %shift_right_arithmetic3A_619, %select_n3A_605 : vector<128x1xi1>, vector<128x1xi32>
    %select_n3A_630 = arith.select %ge3A_628, %broadcast_in_dim3A_625, %select_n3A_606 : vector<128x1xi1>, vector<128x1xi32>
    %sub3A_631 = arith.constant 1 : i32
    %sub3A_632 = vector.broadcast %sub3A_631 : i32 to vector<128x1xi32>
    %sub3A_633 = arith.subi %shift_right_arithmetic3A_619, %sub3A_632 : vector<128x1xi32>
    %select_n3A_634 = arith.select %ge3A_628, %select_n3A_610, %sub3A_633 : vector<128x1xi1>, vector<128x1xi32>
    %select_n3A_635 = arith.select %ge3A_628, %select_n3A_611, %broadcast_in_dim3A_625 : vector<128x1xi1>, vector<128x1xi32>
    %scan3A_636 = arith.constant 12 : i32
    %add3A_637 = arith.addi %select_n3A_629, %select_n3A_634 : vector<128x1xi32>
    %add3A_638 = arith.constant 1 : i32
    %add3A_639 = vector.broadcast %add3A_638 : i32 to vector<128x1xi32>
    %add3A_640 = arith.addi %add3A_637, %add3A_639 : vector<128x1xi32>
    %shift_right_arithmetic3A_641 = arith.constant 1 : i32
    %shift_right_arithmetic3A_642 = vector.broadcast %shift_right_arithmetic3A_641 : i32 to vector<128x1xi32>
    %shift_right_arithmetic3A_643 = arith.shrsi %add3A_640, %shift_right_arithmetic3A_642 : vector<128x1xi32>
    %ge3A_644 = vector.broadcast %shift_right_arithmetic3A_643 : vector<128x1xi32> to vector<128x8192xi32>
    %ge3A_645 = arith.cmpi sge, %bitcast_convert_type3A_326, %ge3A_644 : vector<128x8192xi32>
    %convert_element_type3A_646 = arith.extui %ge3A_645 : vector<128x8192xi1> to vector<128x8192xi32>
    %reduce_sum3A_647 = arith.constant dense<0> : vector<128xi32>
    %reduce_sum3A_648 = vector.multi_reduction <add>, %convert_element_type3A_646, %reduce_sum3A_647 [1] : vector<128x8192xi32> to vector<128xi32>
    %broadcast_in_dim3A_649 = vector.shape_cast %reduce_sum3A_648 : vector<128xi32> to vector<128x1xi32>
    %ge3A_650 = arith.constant 32 : i32
    %ge3A_651 = vector.broadcast %ge3A_650 : i32 to vector<128x1xi32>
    %ge3A_652 = arith.cmpi sge, %broadcast_in_dim3A_649, %ge3A_651 : vector<128x1xi32>
    %select_n3A_653 = arith.select %ge3A_652, %shift_right_arithmetic3A_643, %select_n3A_629 : vector<128x1xi1>, vector<128x1xi32>
    %select_n3A_654 = arith.select %ge3A_652, %broadcast_in_dim3A_649, %select_n3A_630 : vector<128x1xi1>, vector<128x1xi32>
    %sub3A_655 = arith.constant 1 : i32
    %sub3A_656 = vector.broadcast %sub3A_655 : i32 to vector<128x1xi32>
    %sub3A_657 = arith.subi %shift_right_arithmetic3A_643, %sub3A_656 : vector<128x1xi32>
    %select_n3A_658 = arith.select %ge3A_652, %select_n3A_634, %sub3A_657 : vector<128x1xi1>, vector<128x1xi32>
    %select_n3A_659 = arith.select %ge3A_652, %select_n3A_635, %broadcast_in_dim3A_649 : vector<128x1xi1>, vector<128x1xi32>
    %scan3A_660 = arith.constant 13 : i32
    %add3A_661 = arith.addi %select_n3A_653, %select_n3A_658 : vector<128x1xi32>
    %add3A_662 = arith.constant 1 : i32
    %add3A_663 = vector.broadcast %add3A_662 : i32 to vector<128x1xi32>
    %add3A_664 = arith.addi %add3A_661, %add3A_663 : vector<128x1xi32>
    %shift_right_arithmetic3A_665 = arith.constant 1 : i32
    %shift_right_arithmetic3A_666 = vector.broadcast %shift_right_arithmetic3A_665 : i32 to vector<128x1xi32>
    %shift_right_arithmetic3A_667 = arith.shrsi %add3A_664, %shift_right_arithmetic3A_666 : vector<128x1xi32>
    %ge3A_668 = vector.broadcast %shift_right_arithmetic3A_667 : vector<128x1xi32> to vector<128x8192xi32>
    %ge3A_669 = arith.cmpi sge, %bitcast_convert_type3A_326, %ge3A_668 : vector<128x8192xi32>
    %convert_element_type3A_670 = arith.extui %ge3A_669 : vector<128x8192xi1> to vector<128x8192xi32>
    %reduce_sum3A_671 = arith.constant dense<0> : vector<128xi32>
    %reduce_sum3A_672 = vector.multi_reduction <add>, %convert_element_type3A_670, %reduce_sum3A_671 [1] : vector<128x8192xi32> to vector<128xi32>
    %broadcast_in_dim3A_673 = vector.shape_cast %reduce_sum3A_672 : vector<128xi32> to vector<128x1xi32>
    %ge3A_674 = arith.constant 32 : i32
    %ge3A_675 = vector.broadcast %ge3A_674 : i32 to vector<128x1xi32>
    %ge3A_676 = arith.cmpi sge, %broadcast_in_dim3A_673, %ge3A_675 : vector<128x1xi32>
    %select_n3A_677 = arith.select %ge3A_676, %shift_right_arithmetic3A_667, %select_n3A_653 : vector<128x1xi1>, vector<128x1xi32>
    %select_n3A_678 = arith.select %ge3A_676, %broadcast_in_dim3A_673, %select_n3A_654 : vector<128x1xi1>, vector<128x1xi32>
    %sub3A_679 = arith.constant 1 : i32
    %sub3A_680 = vector.broadcast %sub3A_679 : i32 to vector<128x1xi32>
    %sub3A_681 = arith.subi %shift_right_arithmetic3A_667, %sub3A_680 : vector<128x1xi32>
    %select_n3A_682 = arith.select %ge3A_676, %select_n3A_658, %sub3A_681 : vector<128x1xi1>, vector<128x1xi32>
    %select_n3A_683 = arith.select %ge3A_676, %select_n3A_659, %broadcast_in_dim3A_673 : vector<128x1xi1>, vector<128x1xi32>
    %scan3A_684 = arith.constant 14 : i32
    %add3A_685 = arith.addi %select_n3A_677, %select_n3A_682 : vector<128x1xi32>
    %add3A_686 = arith.constant 1 : i32
    %add3A_687 = vector.broadcast %add3A_686 : i32 to vector<128x1xi32>
    %add3A_688 = arith.addi %add3A_685, %add3A_687 : vector<128x1xi32>
    %shift_right_arithmetic3A_689 = arith.constant 1 : i32
    %shift_right_arithmetic3A_690 = vector.broadcast %shift_right_arithmetic3A_689 : i32 to vector<128x1xi32>
    %shift_right_arithmetic3A_691 = arith.shrsi %add3A_688, %shift_right_arithmetic3A_690 : vector<128x1xi32>
    %ge3A_692 = vector.broadcast %shift_right_arithmetic3A_691 : vector<128x1xi32> to vector<128x8192xi32>
    %ge3A_693 = arith.cmpi sge, %bitcast_convert_type3A_326, %ge3A_692 : vector<128x8192xi32>
    %convert_element_type3A_694 = arith.extui %ge3A_693 : vector<128x8192xi1> to vector<128x8192xi32>
    %reduce_sum3A_695 = arith.constant dense<0> : vector<128xi32>
    %reduce_sum3A_696 = vector.multi_reduction <add>, %convert_element_type3A_694, %reduce_sum3A_695 [1] : vector<128x8192xi32> to vector<128xi32>
    %broadcast_in_dim3A_697 = vector.shape_cast %reduce_sum3A_696 : vector<128xi32> to vector<128x1xi32>
    %ge3A_698 = arith.constant 32 : i32
    %ge3A_699 = vector.broadcast %ge3A_698 : i32 to vector<128x1xi32>
    %ge3A_700 = arith.cmpi sge, %broadcast_in_dim3A_697, %ge3A_699 : vector<128x1xi32>
    %select_n3A_701 = arith.select %ge3A_700, %shift_right_arithmetic3A_691, %select_n3A_677 : vector<128x1xi1>, vector<128x1xi32>
    %select_n3A_702 = arith.select %ge3A_700, %broadcast_in_dim3A_697, %select_n3A_678 : vector<128x1xi1>, vector<128x1xi32>
    %sub3A_703 = arith.constant 1 : i32
    %sub3A_704 = vector.broadcast %sub3A_703 : i32 to vector<128x1xi32>
    %sub3A_705 = arith.subi %shift_right_arithmetic3A_691, %sub3A_704 : vector<128x1xi32>
    %select_n3A_706 = arith.select %ge3A_700, %select_n3A_682, %sub3A_705 : vector<128x1xi1>, vector<128x1xi32>
    %select_n3A_707 = arith.select %ge3A_700, %select_n3A_683, %broadcast_in_dim3A_697 : vector<128x1xi1>, vector<128x1xi32>
    %scan3A_708 = arith.constant 15 : i32
    %add3A_709 = arith.addi %select_n3A_701, %select_n3A_706 : vector<128x1xi32>
    %add3A_710 = arith.constant 1 : i32
    %add3A_711 = vector.broadcast %add3A_710 : i32 to vector<128x1xi32>
    %add3A_712 = arith.addi %add3A_709, %add3A_711 : vector<128x1xi32>
    %shift_right_arithmetic3A_713 = arith.constant 1 : i32
    %shift_right_arithmetic3A_714 = vector.broadcast %shift_right_arithmetic3A_713 : i32 to vector<128x1xi32>
    %shift_right_arithmetic3A_715 = arith.shrsi %add3A_712, %shift_right_arithmetic3A_714 : vector<128x1xi32>
    %ge3A_716 = vector.broadcast %shift_right_arithmetic3A_715 : vector<128x1xi32> to vector<128x8192xi32>
    %ge3A_717 = arith.cmpi sge, %bitcast_convert_type3A_326, %ge3A_716 : vector<128x8192xi32>
    %convert_element_type3A_718 = arith.extui %ge3A_717 : vector<128x8192xi1> to vector<128x8192xi32>
    %reduce_sum3A_719 = arith.constant dense<0> : vector<128xi32>
    %reduce_sum3A_720 = vector.multi_reduction <add>, %convert_element_type3A_718, %reduce_sum3A_719 [1] : vector<128x8192xi32> to vector<128xi32>
    %broadcast_in_dim3A_721 = vector.shape_cast %reduce_sum3A_720 : vector<128xi32> to vector<128x1xi32>
    %ge3A_722 = arith.constant 32 : i32
    %ge3A_723 = vector.broadcast %ge3A_722 : i32 to vector<128x1xi32>
    %ge3A_724 = arith.cmpi sge, %broadcast_in_dim3A_721, %ge3A_723 : vector<128x1xi32>
    %select_n3A_725 = arith.select %ge3A_724, %shift_right_arithmetic3A_715, %select_n3A_701 : vector<128x1xi1>, vector<128x1xi32>
    %select_n3A_726 = arith.select %ge3A_724, %broadcast_in_dim3A_721, %select_n3A_702 : vector<128x1xi1>, vector<128x1xi32>
    %sub3A_727 = arith.constant 1 : i32
    %sub3A_728 = vector.broadcast %sub3A_727 : i32 to vector<128x1xi32>
    %sub3A_729 = arith.subi %shift_right_arithmetic3A_715, %sub3A_728 : vector<128x1xi32>
    %select_n3A_730 = arith.select %ge3A_724, %select_n3A_706, %sub3A_729 : vector<128x1xi1>, vector<128x1xi32>
    %select_n3A_731 = arith.select %ge3A_724, %select_n3A_707, %broadcast_in_dim3A_721 : vector<128x1xi1>, vector<128x1xi32>
    %scan3A_732 = arith.constant 16 : i32
    %add3A_733 = arith.addi %select_n3A_725, %select_n3A_730 : vector<128x1xi32>
    %add3A_734 = arith.constant 1 : i32
    %add3A_735 = vector.broadcast %add3A_734 : i32 to vector<128x1xi32>
    %add3A_736 = arith.addi %add3A_733, %add3A_735 : vector<128x1xi32>
    %shift_right_arithmetic3A_737 = arith.constant 1 : i32
    %shift_right_arithmetic3A_738 = vector.broadcast %shift_right_arithmetic3A_737 : i32 to vector<128x1xi32>
    %shift_right_arithmetic3A_739 = arith.shrsi %add3A_736, %shift_right_arithmetic3A_738 : vector<128x1xi32>
    %ge3A_740 = vector.broadcast %shift_right_arithmetic3A_739 : vector<128x1xi32> to vector<128x8192xi32>
    %ge3A_741 = arith.cmpi sge, %bitcast_convert_type3A_326, %ge3A_740 : vector<128x8192xi32>
    %convert_element_type3A_742 = arith.extui %ge3A_741 : vector<128x8192xi1> to vector<128x8192xi32>
    %reduce_sum3A_743 = arith.constant dense<0> : vector<128xi32>
    %reduce_sum3A_744 = vector.multi_reduction <add>, %convert_element_type3A_742, %reduce_sum3A_743 [1] : vector<128x8192xi32> to vector<128xi32>
    %broadcast_in_dim3A_745 = vector.shape_cast %reduce_sum3A_744 : vector<128xi32> to vector<128x1xi32>
    %ge3A_746 = arith.constant 32 : i32
    %ge3A_747 = vector.broadcast %ge3A_746 : i32 to vector<128x1xi32>
    %ge3A_748 = arith.cmpi sge, %broadcast_in_dim3A_745, %ge3A_747 : vector<128x1xi32>
    %select_n3A_749 = arith.select %ge3A_748, %shift_right_arithmetic3A_739, %select_n3A_725 : vector<128x1xi1>, vector<128x1xi32>
    %select_n3A_750 = arith.select %ge3A_748, %broadcast_in_dim3A_745, %select_n3A_726 : vector<128x1xi1>, vector<128x1xi32>
    %sub3A_751 = arith.constant 1 : i32
    %sub3A_752 = vector.broadcast %sub3A_751 : i32 to vector<128x1xi32>
    %sub3A_753 = arith.subi %shift_right_arithmetic3A_739, %sub3A_752 : vector<128x1xi32>
    %select_n3A_754 = arith.select %ge3A_748, %select_n3A_730, %sub3A_753 : vector<128x1xi1>, vector<128x1xi32>
    %select_n3A_755 = arith.select %ge3A_748, %select_n3A_731, %broadcast_in_dim3A_745 : vector<128x1xi1>, vector<128x1xi32>
    %while3A:4 = scf.while (%while3A_788 = %select_n3A_749, %while3A_789 = %select_n3A_754, %while3A_790 = %select_n3A_750, %while3A_791 = %select_n3A_755) : (vector<128x1xi32>, vector<128x1xi32>, vector<128x1xi32>, vector<128x1xi32>) -> (vector<128x1xi32>, vector<128x1xi32>, vector<128x1xi32>, vector<128x1xi32>) {
      %lt3A = arith.cmpi slt, %while3A_788, %while3A_789 : vector<128x1xi32>
      %reduce_or3A = arith.constant 1.000000e+00 : f32
      %reduce_or3A_792 = arith.constant 0.000000e+00 : f32
      %reduce_or3A_793 = vector.broadcast %reduce_or3A : f32 to vector<128x1xf32>
      %reduce_or3A_794 = vector.broadcast %reduce_or3A_792 : f32 to vector<128x1xf32>
      %reduce_or3A_795 = arith.select %lt3A, %reduce_or3A_793, %reduce_or3A_794 : vector<128x1xi1>, vector<128x1xf32>
      %reduce_or3A_796 = vector.shape_cast %reduce_or3A_795 : vector<128x1xf32> to vector<1x128x1xf32>
      %reduce_or3A_797 = arith.constant dense<0xFF800000> : vector<1xf32>
      %reduce_or3A_798 = vector.multi_reduction <maximumf>, %reduce_or3A_796, %reduce_or3A_797 [1, 2] : vector<1x128x1xf32> to vector<1xf32>
      %reduce_or3A_799 = vector.shape_cast %reduce_or3A_798 : vector<1xf32> to vector<1x1x1xf32>
      %reduce_or3A_800 = vector.extract %reduce_or3A_799[0, 0, 0] : f32 from vector<1x1x1xf32>
      %reduce_or3A_801 = arith.constant 0.000000e+00 : f32
      %reduce_or3A_802 = arith.cmpf ogt, %reduce_or3A_800, %reduce_or3A_801 : f32
      scf.condition(%reduce_or3A_802) %while3A_788, %while3A_789, %while3A_790, %while3A_791 : vector<128x1xi32>, vector<128x1xi32>, vector<128x1xi32>, vector<128x1xi32>
    } do {
    ^bb0(%while3A_788: vector<128x1xi32>, %while3A_789: vector<128x1xi32>, %while3A_790: vector<128x1xi32>, %while3A_791: vector<128x1xi32>):
      %add3A_792 = arith.addi %while3A_788, %while3A_789 : vector<128x1xi32>
      %add3A_793 = arith.constant 1 : i32
      %add3A_794 = vector.broadcast %add3A_793 : i32 to vector<128x1xi32>
      %add3A_795 = arith.addi %add3A_792, %add3A_794 : vector<128x1xi32>
      %shift_right_arithmetic3A_796 = arith.constant 1 : i32
      %shift_right_arithmetic3A_797 = vector.broadcast %shift_right_arithmetic3A_796 : i32 to vector<128x1xi32>
      %shift_right_arithmetic3A_798 = arith.shrsi %add3A_795, %shift_right_arithmetic3A_797 : vector<128x1xi32>
      %ge3A_799 = vector.broadcast %shift_right_arithmetic3A_798 : vector<128x1xi32> to vector<128x8192xi32>
      %ge3A_800 = arith.cmpi sge, %bitcast_convert_type3A_326, %ge3A_799 : vector<128x8192xi32>
      %convert_element_type3A_801 = arith.extui %ge3A_800 : vector<128x8192xi1> to vector<128x8192xi32>
      %reduce_sum3A_802 = arith.constant dense<0> : vector<128xi32>
      %reduce_sum3A_803 = vector.multi_reduction <add>, %convert_element_type3A_801, %reduce_sum3A_802 [1] : vector<128x8192xi32> to vector<128xi32>
      %broadcast_in_dim3A_804 = vector.shape_cast %reduce_sum3A_803 : vector<128xi32> to vector<128x1xi32>
      %ge3A_805 = arith.constant 32 : i32
      %ge3A_806 = vector.broadcast %ge3A_805 : i32 to vector<128x1xi32>
      %ge3A_807 = arith.cmpi sge, %broadcast_in_dim3A_804, %ge3A_806 : vector<128x1xi32>
      %select_n3A_808 = arith.select %ge3A_807, %shift_right_arithmetic3A_798, %while3A_788 : vector<128x1xi1>, vector<128x1xi32>
      %select_n3A_809 = arith.select %ge3A_807, %broadcast_in_dim3A_804, %while3A_790 : vector<128x1xi1>, vector<128x1xi32>
      %sub3A_810 = arith.constant 1 : i32
      %sub3A_811 = vector.broadcast %sub3A_810 : i32 to vector<128x1xi32>
      %sub3A_812 = arith.subi %shift_right_arithmetic3A_798, %sub3A_811 : vector<128x1xi32>
      %select_n3A_813 = arith.select %ge3A_807, %while3A_789, %sub3A_812 : vector<128x1xi1>, vector<128x1xi32>
      %select_n3A_814 = arith.select %ge3A_807, %while3A_791, %broadcast_in_dim3A_804 : vector<128x1xi1>, vector<128x1xi32>
      scf.yield %select_n3A_808, %select_n3A_813, %select_n3A_809, %select_n3A_814 : vector<128x1xi32>, vector<128x1xi32>, vector<128x1xi32>, vector<128x1xi32>
    }
    %sub3A_756 = arith.constant 32 : i32
    %sub3A_757 = vector.broadcast %sub3A_756 : i32 to vector<128x1xi32>
    %sub3A_758 = arith.subi %sub3A_757, %while3A#3 : vector<128x1xi32>
    %sub3A_759 = arith.subi %while3A#2, %while3A#3 : vector<128x1xi32>
    %iota3A_760 = tpu.iota {dimensions = array<i32: 1>} : vector<128x8192xi32>
    %eq3A = vector.broadcast %while3A#0 : vector<128x1xi32> to vector<128x8192xi32>
    %eq3A_761 = arith.cmpi eq, %bitcast_convert_type3A_326, %eq3A : vector<128x8192xi32>
    %jit3A_762 = arith.constant 8192 : i32
    %broadcast_in_dim3A_763 = vector.broadcast %jit3A_762 : i32 to vector<128x8192xi32>
    %select_n3A_764 = arith.select %eq3A_761, %iota3A_760, %broadcast_in_dim3A_763 : vector<128x8192xi1>, vector<128x8192xi32>
    %eq3A_765 = arith.cmpi eq, %sub3A_759, %sub3A_758 : vector<128x1xi32>
    %jit3A_766 = arith.constant 0 : i32
    %broadcast_in_dim3A_767 = vector.broadcast %jit3A_766 : i32 to vector<128x1xi32>
    %select_n3A_768 = arith.select %eq3A_765, %broadcast_in_dim3A_767, %sub3A_758 : vector<128x1xi1>, vector<128x1xi32>
    %broadcast_in_dim3A_769 = arith.constant -1 : i32
    %broadcast_in_dim3A_770 = vector.broadcast %broadcast_in_dim3A_769 : i32 to vector<128x1xi32>
    %broadcast_in_dim3A_771 = arith.constant 0 : i32
    %broadcast_in_dim3A_772 = vector.broadcast %broadcast_in_dim3A_771 : i32 to vector<128x1xi32>
    %while3A_773:2 = scf.while (%while3A_788 = %broadcast_in_dim3A_770, %while3A_789 = %broadcast_in_dim3A_772) : (vector<128x1xi32>, vector<128x1xi32>) -> (vector<128x1xi32>, vector<128x1xi32>) {
      %lt3A = arith.cmpi slt, %while3A_789, %select_n3A_768 : vector<128x1xi32>
      %reduce_or3A = arith.constant 1.000000e+00 : f32
      %reduce_or3A_790 = arith.constant 0.000000e+00 : f32
      %reduce_or3A_791 = vector.broadcast %reduce_or3A : f32 to vector<128x1xf32>
      %reduce_or3A_792 = vector.broadcast %reduce_or3A_790 : f32 to vector<128x1xf32>
      %reduce_or3A_793 = arith.select %lt3A, %reduce_or3A_791, %reduce_or3A_792 : vector<128x1xi1>, vector<128x1xf32>
      %reduce_or3A_794 = vector.shape_cast %reduce_or3A_793 : vector<128x1xf32> to vector<1x128x1xf32>
      %reduce_or3A_795 = arith.constant dense<0xFF800000> : vector<1xf32>
      %reduce_or3A_796 = vector.multi_reduction <maximumf>, %reduce_or3A_794, %reduce_or3A_795 [1, 2] : vector<1x128x1xf32> to vector<1xf32>
      %reduce_or3A_797 = vector.shape_cast %reduce_or3A_796 : vector<1xf32> to vector<1x1x1xf32>
      %reduce_or3A_798 = vector.extract %reduce_or3A_797[0, 0, 0] : f32 from vector<1x1x1xf32>
      %reduce_or3A_799 = arith.constant 0.000000e+00 : f32
      %reduce_or3A_800 = arith.cmpf ogt, %reduce_or3A_798, %reduce_or3A_799 : f32
      scf.condition(%reduce_or3A_800) %while3A_788, %while3A_789 : vector<128x1xi32>, vector<128x1xi32>
    } do {
    ^bb0(%while3A_788: vector<128x1xi32>, %while3A_789: vector<128x1xi32>):
      %gt3A_790 = vector.broadcast %while3A_788 : vector<128x1xi32> to vector<128x8192xi32>
      %gt3A_791 = arith.cmpi sgt, %select_n3A_764, %gt3A_790 : vector<128x8192xi32>
      %jit3A_792 = arith.constant 8192 : i32
      %broadcast_in_dim3A_793 = vector.broadcast %jit3A_792 : i32 to vector<128x8192xi32>
      %select_n3A_794 = arith.select %gt3A_791, %select_n3A_764, %broadcast_in_dim3A_793 : vector<128x8192xi1>, vector<128x8192xi32>
      %reduce_min3A = arith.constant dense<2147483647> : vector<128xi32>
      %reduce_min3A_795 = vector.multi_reduction <minsi>, %select_n3A_794, %reduce_min3A [1] : vector<128x8192xi32> to vector<128xi32>
      %broadcast_in_dim3A_796 = vector.shape_cast %reduce_min3A_795 : vector<128xi32> to vector<128x1xi32>
      %lt3A = arith.cmpi slt, %while3A_789, %select_n3A_768 : vector<128x1xi32>
      %select_n3A_797 = arith.select %lt3A, %broadcast_in_dim3A_796, %while3A_788 : vector<128x1xi1>, vector<128x1xi32>
      %convert_element_type3A_798 = arith.extui %lt3A : vector<128x1xi1> to vector<128x1xi32>
      %add3A_799 = arith.addi %while3A_789, %convert_element_type3A_798 : vector<128x1xi32>
      scf.yield %select_n3A_797, %add3A_799 : vector<128x1xi32>, vector<128x1xi32>
    }
    %eq3A_774 = arith.constant 0 : i32
    %eq3A_775 = vector.broadcast %eq3A_774 : i32 to vector<128x1xi32>
    %eq3A_776 = arith.cmpi eq, %select_n3A_768, %eq3A_775 : vector<128x1xi32>
    %jit3A_777 = arith.constant 8191 : i32
    %broadcast_in_dim3A_778 = vector.broadcast %jit3A_777 : i32 to vector<128x1xi32>
    %select_n3A_779 = arith.select %eq3A_776, %broadcast_in_dim3A_778, %while3A_773#0 : vector<128x1xi1>, vector<128x1xi32>
    %gt3A = vector.broadcast %while3A#0 : vector<128x1xi32> to vector<128x8192xi32>
    %gt3A_780 = arith.cmpi sgt, %bitcast_convert_type3A_326, %gt3A : vector<128x8192xi32>
    %le3A = vector.broadcast %select_n3A_779 : vector<128x1xi32> to vector<128x8192xi32>
    %le3A_781 = arith.cmpi sle, %select_n3A_764, %le3A : vector<128x8192xi32>
    %or3A_782 = arith.ori %gt3A_780, %le3A_781 : vector<128x8192xi1>
    %jit3A_783 = arith.constant 0.000000e+00 : f32
    %broadcast_in_dim3A_784 = vector.broadcast %jit3A_783 : f32 to vector<128x8192xf32>
    %select_n3A_785 = arith.select %or3A_782, %max3A_19, %broadcast_in_dim3A_784 : vector<128x8192xi1>, vector<128x8192xf32>
    %swap3A = arith.constant 0 : index
    %swap3A_786 = arith.constant 0 : index
    %swap3A_787 = vector.load %arg3[%swap3A, %swap3A_786] : memref<128x8192xf32, #tpu.memory_space<vmem>>, vector<128x8192xf32>
    tpu.vector_store %arg3[%swap3A, %swap3A_786], %select_n3A_785 {strides = array<i32>} : memref<128x8192xf32, #tpu.memory_space<vmem>>, vector<128x8192xf32>,
    return
  }
  func.func @transform_0(%arg0: i32) -> (i32, i32) {
    %c0_i32 = arith.constant 0 : i32
    %c0_i32_0 = arith.constant 0 : i32
    %c0_i32_1 = arith.constant 0 : i32
    return %c0_i32, %c0_i32_0 : i32, i32
  }
  func.func @transform_1(%arg0: i32) -> (i32, i32) {
    %c0_i32 = arith.constant 0 : i32
    %c0_i32_0 = arith.constant 0 : i32
    %c0_i32_1 = arith.constant 0 : i32
    return %c0_i32, %c0_i32_0 : i32, i32
  }
  func.func @transform_2(%arg0: i32) -> (i32, i32) {
    %c0_i32 = arith.constant 0 : i32
    %c0_i32_0 = arith.constant 0 : i32
    return %arg0, %c0_i32 : i32, i32
  }
}

</mosaic_0001>

<sc_bundles>
// kernel: kernel.5.cloned.1.call-start
scs
__scs_entry_jumppad:
0x0: {  	(pc) =	sbr.rel $0x88, $3  }
0x1: {  	(tag) =	ssettag $0x0;
	lr =	simm.s32 $0x1  }
0x2: {  	[smem:$0x3F9A] =	sst lr;
	_ =	strace $0xD0000000  }
0x3: {  	_ = 	snop  }
0x4: {  	_ = 	snop  }
0x5: {  	_ = 	snop  }
0x6: {  	_ = 	snop  }
0x7: {  	_ = 	snop  }
__scs_overlays_trampoline_lowered:
0x8: {  	[smem:$0x3FA9] =	sst s0  }
0x9: {  	[smem:$0x3FAA] =	sst s1  }
0xa: {  	[smem:$0x3FAB] =	sst s2  }
0xb: {  	[smem:$0x3FAC] =	sst s3  }
0xc: {  	[smem:$0x3FAD] =	sst s4  }
0xd: {  	[smem:$0x3FAE] =	sst s5  }
0xe: {  	[smem:$0x3FAF] =	sst s6  }
0xf: {  	[smem:$0x3FB0] =	sst s7  }
0x10: {  	[smem:$0x3FB1] =	sst s8  }
0x11: {  	[smem:$0x3FB2] =	sst s9;
	s0 =	simm.s32 @!p0 $0x0  }
0x12: {  	s1 =	sld [smem:$0x3F98];
	s0 =	simm.s32 @p0 $0x1  }
0x13: {  	[smem:$0x3FB3] =	sst s0;
	s0 =	simm.s32 @!p1 $0x0  }
0x14: {  	s2 =	sld [smem:$0x3F97];
	s0 =	simm.s32 @p1 $0x1  }
0x15: {  	[smem:$0x3FB4] =	sst s0;
	s0 =	simm.s32 @!p2 $0x0  }
0x16: {  	s3 =	sld [smem:$0x3FDB];
	s0 =	simm.s32 @p2 $0x1  }
0x17: {  	s4 =	simm.s32 $0x1BF5;
	[smem:$0x3FB6] =	sst s0  }
0x18: {  	s0 =	sld [smem:$0x3F99];
	_ =	swait.ge [sflag:s4], $0x0  }
0x19: {  	s7 =	sld [smem:$0x3F9A]  }
0x1a: {  	s8 =	sadd.s32 $0xFFFFE003, lr  }
0x1b: {  	s9 =	sadd.s32 $0xFFFFFEF7, lr;
	s5 =	simm.s32 $0xFFFFFFFF;
	p2 =	slt.u32 s8, $0xFFFFF086  }
0x1c: {  	p1 =	slt.u32 s9, $0xF7A;
	s5 =	simm.s32 @!p2 $0x0  }
0x1d: {  	s5 =	simm.s32 @p1 $0x1;
	p0 =	seq.s32 s7, s2  }
0x1e: {  	s7 =	smul.u32 @!p0 $0xF7A, s2;
	p2 =	seq.s32 @!p0 s5, $0x0  }
0x1f: {  	s9 =	smul.u32 $0xF7A, s1;
	s8 =	simm.s32 @!p0 $0x1BF5;
	p2 =	por !p2, p0  }
0x20: {  	[sflag:s8] =	ssyncset.s32 @!p0 $0xFFFFF086;
	s6 =	sadd.s32 @!p0 s3, s7;
	s7 =	simm.s32 @!p0 $0x108  }
0x21: {  	s3 =	sadd.s32 s3, s9;
	s6 =	sadd.s32 @!p0 $0x88, s6;
	s7 =	simm.s32 @p2 $0x1082  }
0x22: {  	[simem:s7], [sflag:s8] =	dma.local @!p0 [hbm:s6], $0xF7A  }
0x23: {  	s9 =	sor.u32 $0xD0000000, s2;
	s6 =	simm.s32 $0x108;
	_ =	swait.ge @!p0 [sflag:s8], $0x0  }
0x24: {  	s3 =	sadd.s32 $0x88, s3;
	s6 =	simm.s32 @!p1 $0x1082;
	[sflag:s4] =	ssyncset.s32 $0xFFFFF086  }
0x25: {  	[simem:s6], [sflag:s4] =	dma.local [hbm:s3], $0xF7A  }
0x26: {  	[smem:$0x3F9A] =	sst s1;
	(tag) =	ssettag s2;
	_ =	strace s9  }
0x27: {  	s1 =	sld [smem:$0x3FAA]  }
0x28: {  	s2 =	sld [smem:$0x3FAB]  }
0x29: {  	s4 =	sld [smem:$0x3FAD]  }
0x2a: {  	p0 =	seq.s32 s5, $0x0;
	s5 =	sld [smem:$0x3FAE]  }
0x2b: {  	s6 =	sld [smem:$0x3FAF]  }
0x2c: {  	s7 =	sld [smem:$0x3FB0]  }
0x2d: {  	s3 =	simm.s32 $0x108;
	s8 =	sld [smem:$0x3FB1]  }
0x2e: {  	s3 =	simm.s32 @!p0 $0x1082;
	s9 =	sld [smem:$0x3FB2]  }
0x2f: {  	lr =	sadd.s32 s0, s3;
	s0 =	sld [smem:$0x3FA9]  }
0x30: {  	s3 =	sld [smem:$0x3FAC]  }
0x31: {  	[smem:$0x3FB5] =	sst s10  }
0x32: {  	s10 =	sld [smem:$0x3FB3];
	_ =	sdelay $0x3  }
0x33: {  	p0 =	seq.s32 s10, $0x1;
	s10 =	sld [smem:$0x3FB5];
	_ =	sdelay $0x3  }
0x34: {  	[smem:$0x3FB5] =	sst s10  }
0x35: {  	s10 =	sld [smem:$0x3FB4];
	_ =	sdelay $0x3  }
0x36: {  	p1 =	seq.s32 s10, $0x1;
	s10 =	sld [smem:$0x3FB5];
	_ =	sdelay $0x3  }
0x37: {  	[smem:$0x3FB5] =	sst s10  }
0x38: {  	s10 =	sld [smem:$0x3FB6]  }
0x39: {  	_ = 	snop;
	(pc) =	sbr.ind lr, $3  }
0x3a: {  	_ = 	snop  }
0x3b: {  	_ = 	snop  }
0x3c: {  	p2 =	seq.s32 s10, $0x1;
	s10 =	sld [smem:$0x3FB5]  }
0x3d: {  	_ =	shalt  }
0x3e: {  	_ =	shalt  }
0x3f: {  	_ =	shalt  }
0x40: {  	_ =	shalt  }
0x41: {  	_ =	shalt  }
0x42: {  	_ =	shalt  }
0x43: {  	_ =	shalt  }
0x44: {  	_ =	shalt  }
0x45: {  	_ =	shalt  }
0x46: {  	_ =	shalt  }
0x47: {  	_ =	shalt  }
0x48: {  	_ =	shalt  }
0x49: {  	_ =	shalt  }
0x4a: {  	_ =	shalt  }
0x4b: {  	_ =	shalt  }
0x4c: {  	_ =	shalt  }
0x4d: {  	_ =	shalt  }
0x4e: {  	_ =	shalt  }
0x4f: {  	_ =	shalt  }
0x50: {  	_ =	shalt  }
0x51: {  	_ =	shalt  }
0x52: {  	_ =	shalt  }
0x53: {  	_ =	shalt  }
0x54: {  	_ =	shalt  }
0x55: {  	_ =	shalt  }
0x56: {  	_ =	shalt  }
0x57: {  	_ =	shalt  }
0x58: {  	_ =	shalt  }
0x59: {  	_ =	shalt  }
0x5a: {  	_ =	shalt  }
0x5b: {  	_ =	shalt  }
0x5c: {  	_ =	shalt  }
0x5d: {  	_ =	shalt  }
0x5e: {  	_ =	shalt  }
0x5f: {  	_ =	shalt  }
0x60: {  	_ =	shalt  }
0x61: {  	_ =	shalt  }
0x62: {  	_ =	shalt  }
0x63: {  	_ =	shalt  }
0x64: {  	_ =	shalt  }
0x65: {  	_ =	shalt  }
0x66: {  	_ =	shalt  }
0x67: {  	_ =	shalt  }
0x68: {  	_ =	shalt  }
0x69: {  	_ =	shalt  }
0x6a: {  	_ =	shalt  }
0x6b: {  	_ =	shalt  }
0x6c: {  	_ =	shalt  }
0x6d: {  	_ =	shalt  }
0x6e: {  	_ =	shalt  }
0x6f: {  	_ =	shalt  }
0x70: {  	_ =	shalt  }
0x71: {  	_ =	shalt  }
0x72: {  	_ =	shalt  }
0x73: {  	_ =	shalt  }
0x74: {  	_ =	shalt  }
0x75: {  	_ =	shalt  }
0x76: {  	_ =	shalt  }
0x77: {  	_ =	shalt  }
0x78: {  	_ =	shalt  }
0x79: {  	_ =	shalt  }
0x7a: {  	_ =	shalt  }
0x7b: {  	_ =	shalt  }
0x7c: {  	_ =	shalt  }
0x7d: {  	_ =	shalt  }
0x7e: {  	_ =	shalt  }
0x7f: {  	_ =	shalt  }
0x80: {  	_ =	shalt  }
0x81: {  	_ =	shalt  }
0x82: {  	_ =	shalt  }
0x83: {  	_ =	shalt  }
0x84: {  	_ =	shalt  }
0x85: {  	_ =	shalt  }
0x86: {  	_ =	shalt  }
0x87: {  	_ =	shalt  }
.Lfunc_end0:
.L_simem_size_0:
called_computation_lowered:
.L_overlay_start_0:
0x88: {  	s2 =	sld [smem:$0x3FD9]  }
0x89: {  	s3 =	sld [smem:$0x3FFE];
	_ =	sdelay $0x1  }
0x8a: {  	s1 =	srdreg.scid  }
0x8b: {  	s0 =	sand.u32 $0x1, s1  }
0x8c: {  	s17 =	sshll.u32 s0, $0xA;
	s2 =	sadd.s32 s3, s2  }
0x8d: {  	s2 =	sadd.s32 s2, s17  }
0x8e: {  	[smem:$0x3FC1] =	sst s2  }
0x8f: {  	_ = 	snop  }
0x90: {  	s2 =	sld [smem:$0x3FC9]  }
0x91: {  	s18 =	sld [smem:$0x3FC8]  }
0x92: {  	s4 =	sld [smem:$0x3FC7]  }
0x93: {  	s5 =	sld [smem:$0x3FD0];
	(tm) =	ssettm $0x1  }
0x94: {  	s6 =	sld [smem:$0x3FFB];
	_ =	sdelay $0x3  }
0x95: {  	_ =	strace s6  }
0x96: {  	s6 =	sld [smem:$0x3FFC];
	_ =	sdelay $0x3  }
0x97: {  	_ =	strace s6  }
0x98: {  	s6 =	sld [smem:$0x3FFD];
	_ =	sdelay $0x3  }
0x99: {  	_ =	strace s6  }
0x9a: {  	_ =	strace $0x8FFFFFFF  }
0x9b: {  	s19 =	sld [smem:$0x3FDB];
	_ =	sdelay $0x1  }
0x9c: {  	s7 =	simm.s32 $_scs_section_size  }
0x9d: {  	s8 =	simm.s32 $_size__tile_overlayer_lowered;
	s9 =	simm.s32 $_tile_overlayer_lowered  }
0x9e: {  	s22 =	simm.s32 $0x1BFF;
	s21 =	sshll.u32 s9, $0x1;
	s6 =	sadd.s32 s7, s19  }
0x9f: {  	s10 =	simm.s32 $0x0;
	s20 =	sshll.u32 s8, $0x1;
	s8 =	sadd.s32 s21, s6  }
0xa0: {  	[timem:s10], [sflag:s22] =	dma.local [hbm:s8], s20  }
0xa1: {  	_ =	swait.ge [sflag:s22], s20  }
0xa2: {  	s7 =	ssub.s32 $0x0, s20;
	[sflag:s22] =	ssyncset.done $0x0  }
0xa3: {  	[sflag:s22] =	ssyncadd.s32 s7;
	_ =	sdelay $0x1  }
0xa4: {  	s23 =	simm.s32 $0x1B8B  }
0xa5: {  	_ =	swait.ge [sflag:s23], $0x1  }
0xa6: {  	[sflag:s23] =	ssyncset.done $0x0  }
0xa7: {  	s25 =	simm.s32 $0x1B8E;
	s24 =	sld [smem:$0x3FFE];
	[sflag:s23] =	ssyncadd.s32 $0xFFFFFFFF  }
0xa8: {  	s26 =	simm.s32 $execute0_lowered;
	[smem:$0x3FD2] =	sst s25  }
0xa9: {  	s8 =	sshll.u32 s26, $0x1;
	_ =	strace $0x80000046;
	[dreg:$0x1] =	wrdreg $0xFFFFFFFF  }
0xaa: {  	s28 =	simm.s32 $_size_execute0_lowered;
	s6 =	sadd.s32 s6, s8;
	[dreg:$0x0] =	wrdreg $0x0  }
0xab: {  	s8 =	sshll.u32 s28, $0x1;
	[dreg:$0x2] =	wrdreg s6  }
0xac: {  	[dreg:$0x3] =	wrdreg s8  }
0xad: {  	[dreg:$0x4] =	wrdreg $0xC0  }
0xae: {  	_ =	task [dreg:s10], $0x5FFFF  }
0xaf: {  	[dreg:$0x1] =	wrdreg $0xFFFFFFFF  }
0xb0: {  	[dreg:$0x0] =	wrdreg $0x60  }
0xb1: {  	[dreg:$0x2] =	wrdreg s18  }
0xb2: {  	[dreg:$0x3] =	wrdreg s4  }
0xb3: {  	[dreg:$0x4] =	wrdreg s2  }
0xb4: {  	[dreg:$0x5] =	wrdreg s5  }
0xb5: {  	[dreg:$0x6] =	wrdreg s24  }
0xb6: {  	[dreg:$0x7] =	wrdreg $0x9  }
0xb7: {  	_ =	task.clear_ibuf [dreg:s10], $0x8FFFF;
	_ =	strace $0x90000046  }
0xb8: {  	s29 =	simm.s32 $0x9;
	_ =	strace $0x80000048  }
0xb9: {  	_ =	swait.ge [sflag:s29], $0x1  }
0xba: {  	[sflag:s29] =	ssyncadd.s32 $0xFFFFFFFF  }
0xbb: {  	_ =	strace $0x90000048  }
0xbc: {  	_ =	sfence  }
0xbd: {  	s30 =	sld [smem:$0x0];
	_ =	sdelay $0x2  }
0xbe: {  	s31 =	sshll.u32 s1, $0xD;
	s1 =	sshrl.u32 s1, $0x2  }
0xbf: {  	s3 =	sand.u32 $0x4000, s31;
	s1 =	sadd.s32 s1, s30  }
0xc0: {  	s0 =	sor.u32 s3, s0;
	s1 =	sshll.u32 s1, $0x11  }
0xc1: {  	s0 =	sor.u32 s1, s0  }
0xc2: {  	s0 =	sadd.s32 $0x8F2B, s0  }
0xc3: {  	[sflag:s0] =	ssyncadd.remote.s32 $0x1  }
0xc4: {  	_ =	sfence.sel $0xFFFF  }
0xc5: {  	[dreg:$0x0] =	wrdreg $0xFFFFFFFF;
	(pc) =	sbr.abs _section_cstart, $3  }
0xc6: {  	[dreg:$0x1] =	wrdreg $0xFFFFFFFF  }
0xc7: {  	_ =	task.clear_ibuf [dreg:s10], $0x2FFFF;
	_ =	strace $0x9FFFFFFF  }
0xc8: {  	(tm) =	ssettm $0x7FFFFFFF  }
0xc9: {  	_ =	shalt  }
tec
execute0_lowered:
.L_overlay_start_1:
0x0: {  	(tag) =	ssettag $0x1  }
0x1: {  	s1 =	rddreg [dreg:$0x0]  }
0x2: {  	s2 =	rddreg [dreg:$0x1]  }
0x3: {  	s8 =	rddreg [dreg:$0x2]  }
0x4: {  	s9 =	rddreg [dreg:$0x3]  }
0x5: {  	s5 =	rddreg [dreg:$0x4]  }
0x6: {  	s0 =	rddreg [dreg:$0x5];
	s3 =	simm.s32 $0x0  }
0x7: {  	s4 =	srdreg.scid;
	s14 =	simm.s32 $0x880;
	s15 =	simm.s32 $0x1080  }
0x8: {  	s16 =	simm.s32 $0x1880;
	s17 =	simm.s32 $0x2080;
	s18 =	simm.s32 $0x2880  }
0x9: {  	s19 =	simm.s32 $0x3080;
	s20 =	simm.s32 $0x3880;
	s21 =	simm.s32 $0x4080  }
0xa: {  	s22 =	simm.s32 $0x4880;
	s23 =	simm.s32 $0x5080;
	s28 =	simm.s32 $0x7080  }
0xb: {  	s29 =	simm.s32 $0x7880;
	s30 =	simm.s32 $0x1;
	[smem:$0x7FF] =	sst s3  }
0xc: {  	s6 =	sand.u32 $0x1, s4;
	s4 =	stileid.u32;
	s12 =	sadd.s32 $0x1600, s5  }
0xd: {  	s7 =	ssub.s32 $0x2, s6;
	s11 =	sshll.u32 s4, $0x9;
	s6 =	sshll.u32 s6, $0x8  }
0xe: {  	_ =	strace $0x80000047;
	s10 =	sshrl.u32 s7, $0x1;
	s24 =	sor.u32 s6, s11  }
0xf: {  	s13 =	ssub.s32 s7, s10;
	s6 =	sshrl.u32 s24, $0x3;
	s25 =	sshll.u32 s24, $0x5  }
0x10: {  	s26 =	sor.u32 $0x80, s24;
	s24 =	simm.s32 $0x5880;
	s5 =	sadd.s32 s8, s6  }
0x11: {  	s6 =	sadd.s32 s9, s25;
	s31 =	sshrl.u32 s26, $0x3;
	s7 =	sadd.s32 s12, s25  }
0x12: {  	v2 =	vlaneseq.u32;
	s10 =	sshll.u32 s26, $0x5;
	s11 =	smax.u32 s13, $0x1;
	s13 =	simm.s32 $0x80  }
0x13: {  	vm0 =	vmmov $0xffff;
	v1 =	vshrl.u32 v2, $0x3;
	s25 =	simm.s32 $0x6080;
	s26 =	simm.s32 $0x6880;
	s8 =	sadd.s32 s8, s31  }
0x14: {  	v0 =	vand.u32 $0x7, v2;
	v2 =	vor.u32 $0x8, v2;
	v1 =	vmul.u32 $0x8, v1;
	s9 =	sadd.s32 s9, s10;
	s10 =	sadd.s32 s12, s10;
	s12 =	simm.s32 $0x2  }
.LBB2_1:
0x15: {  	[tilespmem:s3], [sflag:$0x2] =	stream.linear.gather [hbm4b:s5+s3], $0x80, $0x38;
	[tilespmem:$0x8080] =	vst v63  }
0x16: {  	_ =	swait.ge [sflag:s12], $0x80  }
0x17: {  	[sflag:s12] =	ssyncset.done $0x0  }
0x18: {  	[sflag:s12] =	ssyncadd.s32 $0xFFFFFF80  }
0x19: {  	v3 =	vld [tilespmem:$0x0];
	_ =	sdelay $0x4  }
0x1a: {  	v4 =	vshll.u32 v3, $0x1  }
0x1b: {  	v3 =	vand.u32 $0x7, v3;
	v4 =	vand.u32 $0xFFFFFFF0, v4  }
0x1c: {  	v3 =	vor.u32 v3, v4  }
0x1d: {  	v4 =	vperm.xlane v3, v0;
	_ =	sdelay $0x1  }
0x1e: {  	v3 =	vperm.xlane v3, v2;
	v4 =	vadd.s32 v1, v4;
	_ =	sdelay $0x1  }
0x1f: {  	v3 =	vadd.s32 v1, v3;
	_ =	sdelay $0x2  }
0x20: {  	[tilespmem:s13], [sflag:$0x1] =	stream.indirect_vreg.gather [hbm4b:s1+s3], $0x80, v4, vm0, $0xb8;
	[tilespmem:$0x8080] =	vst v63  }
0x21: {  	_ = 	snop  }
0x22: {  	[tilespmem:s14], [sflag:$0x1] =	stream.indirect_vreg.gather [hbm4b:s1+s3], $0x80, v3, vm0, $0xb8;
	[tilespmem:$0x8080] =	vst v63  }
0x23: {  	v3 =	vld [tilespmem:$0x10];
	_ =	sdelay $0x4  }
0x24: {  	v33 =	vshll.u32 v3, $0x1  }
0x25: {  	v3 =	vand.u32 $0x7, v3;
	v4 =	vand.u32 $0xFFFFFFF0, v33  }
0x26: {  	v3 =	vor.u32 v3, v4  }
0x27: {  	v4 =	vperm.xlane v3, v0;
	_ =	sdelay $0x1  }
0x28: {  	v3 =	vperm.xlane v3, v2;
	v4 =	vadd.s32 v1, v4;
	_ =	sdelay $0x1  }
0x29: {  	v3 =	vadd.s32 v1, v3;
	_ =	sdelay $0x2  }
0x2a: {  	[tilespmem:s15], [sflag:$0x1] =	stream.indirect_vreg.gather [hbm4b:s1+s3], $0x80, v4, vm0, $0xb8;
	[tilespmem:$0x8080] =	vst v63  }
0x2b: {  	_ = 	snop  }
0x2c: {  	[tilespmem:s16], [sflag:$0x1] =	stream.indirect_vreg.gather [hbm4b:s1+s3], $0x80, v3, vm0, $0xb8;
	[tilespmem:$0x8080] =	vst v63  }
0x2d: {  	v3 =	vld [tilespmem:$0x20];
	_ =	sdelay $0x4  }
0x2e: {  	v34 =	vshll.u32 v3, $0x1  }
0x2f: {  	v3 =	vand.u32 $0x7, v3;
	v4 =	vand.u32 $0xFFFFFFF0, v34  }
0x30: {  	v3 =	vor.u32 v3, v4  }
0x31: {  	v4 =	vperm.xlane v3, v0;
	_ =	sdelay $0x1  }
0x32: {  	v3 =	vperm.xlane v3, v2;
	v4 =	vadd.s32 v1, v4;
	_ =	sdelay $0x1  }
0x33: {  	v3 =	vadd.s32 v1, v3;
	_ =	sdelay $0x2  }
0x34: {  	[tilespmem:s17], [sflag:$0x1] =	stream.indirect_vreg.gather [hbm4b:s1+s3], $0x80, v4, vm0, $0xb8;
	[tilespmem:$0x8080] =	vst v63  }
0x35: {  	_ = 	snop  }
0x36: {  	[tilespmem:s18], [sflag:$0x1] =	stream.indirect_vreg.gather [hbm4b:s1+s3], $0x80, v3, vm0, $0xb8;
	[tilespmem:$0x8080] =	vst v63  }
0x37: {  	v3 =	vld [tilespmem:$0x30];
	_ =	sdelay $0x4  }
0x38: {  	v35 =	vshll.u32 v3, $0x1  }
0x39: {  	v3 =	vand.u32 $0x7, v3;
	v4 =	vand.u32 $0xFFFFFFF0, v35  }
0x3a: {  	v3 =	vor.u32 v3, v4  }
0x3b: {  	v4 =	vperm.xlane v3, v0;
	_ =	sdelay $0x1  }
0x3c: {  	v3 =	vperm.xlane v3, v2;
	v4 =	vadd.s32 v1, v4;
	_ =	sdelay $0x1  }
0x3d: {  	v3 =	vadd.s32 v1, v3;
	_ =	sdelay $0x2  }
0x3e: {  	[tilespmem:s19], [sflag:$0x1] =	stream.indirect_vreg.gather [hbm4b:s1+s3], $0x80, v4, vm0, $0xb8;
	[tilespmem:$0x8080] =	vst v63  }
0x3f: {  	_ = 	snop  }
0x40: {  	[tilespmem:s20], [sflag:$0x1] =	stream.indirect_vreg.gather [hbm4b:s1+s3], $0x80, v3, vm0, $0xb8;
	[tilespmem:$0x8080] =	vst v63  }
0x41: {  	v3 =	vld [tilespmem:$0x40];
	_ =	sdelay $0x4  }
0x42: {  	v36 =	vshll.u32 v3, $0x1  }
0x43: {  	v3 =	vand.u32 $0x7, v3;
	v4 =	vand.u32 $0xFFFFFFF0, v36  }
0x44: {  	v3 =	vor.u32 v3, v4  }
0x45: {  	v4 =	vperm.xlane v3, v0;
	_ =	sdelay $0x1  }
0x46: {  	v3 =	vperm.xlane v3, v2;
	v4 =	vadd.s32 v1, v4;
	_ =	sdelay $0x1  }
0x47: {  	v3 =	vadd.s32 v1, v3;
	_ =	sdelay $0x2  }
0x48: {  	[tilespmem:s21], [sflag:$0x1] =	stream.indirect_vreg.gather [hbm4b:s1+s3], $0x80, v4, vm0, $0xb8;
	[tilespmem:$0x8080] =	vst v63  }
0x49: {  	_ = 	snop  }
0x4a: {  	[tilespmem:s22], [sflag:$0x1] =	stream.indirect_vreg.gather [hbm4b:s1+s3], $0x80, v3, vm0, $0xb8;
	[tilespmem:$0x8080] =	vst v63  }
0x4b: {  	v3 =	vld [tilespmem:$0x50];
	_ =	sdelay $0x4  }
0x4c: {  	v37 =	vshll.u32 v3, $0x1  }
0x4d: {  	v3 =	vand.u32 $0x7, v3;
	v4 =	vand.u32 $0xFFFFFFF0, v37  }
0x4e: {  	v3 =	vor.u32 v3, v4  }
0x4f: {  	v4 =	vperm.xlane v3, v0;
	_ =	sdelay $0x1  }
0x50: {  	v3 =	vperm.xlane v3, v2;
	v4 =	vadd.s32 v1, v4;
	_ =	sdelay $0x1  }
0x51: {  	v3 =	vadd.s32 v1, v3;
	_ =	sdelay $0x2  }
0x52: {  	[tilespmem:s23], [sflag:$0x1] =	stream.indirect_vreg.gather [hbm4b:s1+s3], $0x80, v4, vm0, $0xb8;
	[tilespmem:$0x8080] =	vst v63  }
0x53: {  	_ = 	snop  }
0x54: {  	[tilespmem:s24], [sflag:$0x1] =	stream.indirect_vreg.gather [hbm4b:s1+s3], $0x80, v3, vm0, $0xb8;
	[tilespmem:$0x8080] =	vst v63  }
0x55: {  	v3 =	vld [tilespmem:$0x60];
	_ =	sdelay $0x4  }
0x56: {  	v38 =	vshll.u32 v3, $0x1  }
0x57: {  	v3 =	vand.u32 $0x7, v3;
	v4 =	vand.u32 $0xFFFFFFF0, v38  }
0x58: {  	v3 =	vor.u32 v3, v4  }
0x59: {  	v4 =	vperm.xlane v3, v0;
	_ =	sdelay $0x1  }
0x5a: {  	v3 =	vperm.xlane v3, v2;
	v4 =	vadd.s32 v1, v4;
	_ =	sdelay $0x1  }
0x5b: {  	v3 =	vadd.s32 v1, v3;
	_ =	sdelay $0x2  }
0x5c: {  	[tilespmem:s25], [sflag:$0x1] =	stream.indirect_vreg.gather [hbm4b:s1+s3], $0x80, v4, vm0, $0xb8;
	[tilespmem:$0x8080] =	vst v63  }
0x5d: {  	_ = 	snop  }
0x5e: {  	[tilespmem:s26], [sflag:$0x1] =	stream.indirect_vreg.gather [hbm4b:s1+s3], $0x80, v3, vm0, $0xb8;
	[tilespmem:$0x8080] =	vst v63  }
0x5f: {  	v3 =	vld [tilespmem:$0x70];
	_ =	sdelay $0x4  }
0x60: {  	v39 =	vshll.u32 v3, $0x1  }
0x61: {  	v3 =	vand.u32 $0x7, v3;
	v4 =	vand.u32 $0xFFFFFFF0, v39  }
0x62: {  	v3 =	vor.u32 v3, v4  }
0x63: {  	v4 =	vperm.xlane v3, v0;
	_ =	sdelay $0x1  }
0x64: {  	v3 =	vperm.xlane v3, v2;
	v4 =	vadd.s32 v1, v4;
	_ =	sdelay $0x1  }
0x65: {  	v3 =	vadd.s32 v1, v3;
	_ =	sdelay $0x2  }
0x66: {  	[tilespmem:s28], [sflag:$0x1] =	stream.indirect_vreg.gather [hbm4b:s1+s3], $0x80, v4, vm0, $0xb8;
	[tilespmem:$0x8080] =	vst v63  }
0x67: {  	_ = 	snop  }
0x68: {  	[tilespmem:s29], [sflag:$0x1] =	stream.indirect_vreg.gather [hbm4b:s1+s3], $0x80, v3, vm0, $0xb8;
	[tilespmem:$0x8080] =	vst v63  }
0x69: {  	_ =	swait.ge [sflag:s30], $0x8000  }
0x6a: {  	[sflag:s30] =	ssyncset.done $0x0  }
0x6b: {  	[sflag:s30] =	ssyncadd.s32 $0xFFFF8000  }
0x6c: {  	[hbm4b:s6+s3] =	stream.linear.scatter [tilespmem:s13], [sflag:$0x2], $0x8000, $0x38;
	[tilespmem:$0x8080] =	vst v63  }
0x6d: {  	_ =	swait.ge [sflag:s12], $0x8000  }
0x6e: {  	[sflag:s12] =	ssyncset.done $0x0  }
0x6f: {  	[sflag:s12] =	ssyncadd.s32 $0xFFFF8000  }
0x70: {  	v3 =	vld [tilespmem:$0x0];
	_ =	sdelay $0x4  }
0x71: {  	v40 =	vshll.u32 v3, $0x1  }
0x72: {  	v3 =	vand.u32 $0x7, v3;
	v4 =	vand.u32 $0xFFFFFFF0, v40  }
0x73: {  	v3 =	vor.u32 v3, v4  }
0x74: {  	v4 =	vperm.xlane v3, v0;
	_ =	sdelay $0x1  }
0x75: {  	v3 =	vperm.xlane v3, v2;
	v4 =	vadd.s32 v1, v4;
	_ =	sdelay $0x1  }
0x76: {  	v3 =	vadd.s32 v1, v3;
	_ =	sdelay $0x2  }
0x77: {  	[tilespmem:s13], [sflag:$0x1] =	stream.indirect_vreg.gather [hbm4b:s2+s3], $0x80, v4, vm0, $0xb8;
	[tilespmem:$0x8080] =	vst v63  }
0x78: {  	_ = 	snop  }
0x79: {  	[tilespmem:s14], [sflag:$0x1] =	stream.indirect_vreg.gather [hbm4b:s2+s3], $0x80, v3, vm0, $0xb8;
	[tilespmem:$0x8080] =	vst v63  }
0x7a: {  	v3 =	vld [tilespmem:$0x10];
	_ =	sdelay $0x4  }
0x7b: {  	v41 =	vshll.u32 v3, $0x1  }
0x7c: {  	v3 =	vand.u32 $0x7, v3;
	v4 =	vand.u32 $0xFFFFFFF0, v41  }
0x7d: {  	v3 =	vor.u32 v3, v4  }
0x7e: {  	v4 =	vperm.xlane v3, v0;
	_ =	sdelay $0x1  }
0x7f: {  	v3 =	vperm.xlane v3, v2;
	v4 =	vadd.s32 v1, v4;
	_ =	sdelay $0x1  }
0x80: {  	v3 =	vadd.s32 v1, v3;
	_ =	sdelay $0x2  }
0x81: {  	[tilespmem:s15], [sflag:$0x1] =	stream.indirect_vreg.gather [hbm4b:s2+s3], $0x80, v4, vm0, $0xb8;
	[tilespmem:$0x8080] =	vst v63  }
0x82: {  	_ = 	snop  }
0x83: {  	[tilespmem:s16], [sflag:$0x1] =	stream.indirect_vreg.gather [hbm4b:s2+s3], $0x80, v3, vm0, $0xb8;
	[tilespmem:$0x8080] =	vst v63  }
0x84: {  	v3 =	vld [tilespmem:$0x20];
	_ =	sdelay $0x4  }
0x85: {  	v42 =	vshll.u32 v3, $0x1  }
0x86: {  	v3 =	vand.u32 $0x7, v3;
	v4 =	vand.u32 $0xFFFFFFF0, v42  }
0x87: {  	v3 =	vor.u32 v3, v4  }
0x88: {  	v4 =	vperm.xlane v3, v0;
	_ =	sdelay $0x1  }
0x89: {  	v3 =	vperm.xlane v3, v2;
	v4 =	vadd.s32 v1, v4;
	_ =	sdelay $0x1  }
0x8a: {  	v3 =	vadd.s32 v1, v3;
	_ =	sdelay $0x2  }
0x8b: {  	[tilespmem:s17], [sflag:$0x1] =	stream.indirect_vreg.gather [hbm4b:s2+s3], $0x80, v4, vm0, $0xb8;
	[tilespmem:$0x8080] =	vst v63  }
0x8c: {  	_ = 	snop  }
0x8d: {  	[tilespmem:s18], [sflag:$0x1] =	stream.indirect_vreg.gather [hbm4b:s2+s3], $0x80, v3, vm0, $0xb8;
	[tilespmem:$0x8080] =	vst v63  }
0x8e: {  	v3 =	vld [tilespmem:$0x30];
	_ =	sdelay $0x4  }
0x8f: {  	v43 =	vshll.u32 v3, $0x1  }
0x90: {  	v3 =	vand.u32 $0x7, v3;
	v4 =	vand.u32 $0xFFFFFFF0, v43  }
0x91: {  	v3 =	vor.u32 v3, v4  }
0x92: {  	v4 =	vperm.xlane v3, v0;
	_ =	sdelay $0x1  }
0x93: {  	v3 =	vperm.xlane v3, v2;
	v4 =	vadd.s32 v1, v4;
	_ =	sdelay $0x1  }
0x94: {  	v3 =	vadd.s32 v1, v3;
	_ =	sdelay $0x2  }
0x95: {  	[tilespmem:s19], [sflag:$0x1] =	stream.indirect_vreg.gather [hbm4b:s2+s3], $0x80, v4, vm0, $0xb8;
	[tilespmem:$0x8080] =	vst v63  }
0x96: {  	_ = 	snop  }
0x97: {  	[tilespmem:s20], [sflag:$0x1] =	stream.indirect_vreg.gather [hbm4b:s2+s3], $0x80, v3, vm0, $0xb8;
	[tilespmem:$0x8080] =	vst v63  }
0x98: {  	v3 =	vld [tilespmem:$0x40];
	_ =	sdelay $0x4  }
0x99: {  	v44 =	vshll.u32 v3, $0x1  }
0x9a: {  	v3 =	vand.u32 $0x7, v3;
	v4 =	vand.u32 $0xFFFFFFF0, v44  }
0x9b: {  	v3 =	vor.u32 v3, v4  }
0x9c: {  	v4 =	vperm.xlane v3, v0;
	_ =	sdelay $0x1  }
0x9d: {  	v3 =	vperm.xlane v3, v2;
	v4 =	vadd.s32 v1, v4;
	_ =	sdelay $0x1  }
0x9e: {  	v3 =	vadd.s32 v1, v3;
	_ =	sdelay $0x2  }
0x9f: {  	[tilespmem:s21], [sflag:$0x1] =	stream.indirect_vreg.gather [hbm4b:s2+s3], $0x80, v4, vm0, $0xb8;
	[tilespmem:$0x8080] =	vst v63  }
0xa0: {  	_ = 	snop  }
0xa1: {  	[tilespmem:s22], [sflag:$0x1] =	stream.indirect_vreg.gather [hbm4b:s2+s3], $0x80, v3, vm0, $0xb8;
	[tilespmem:$0x8080] =	vst v63  }
0xa2: {  	v3 =	vld [tilespmem:$0x50];
	_ =	sdelay $0x4  }
0xa3: {  	v45 =	vshll.u32 v3, $0x1  }
0xa4: {  	v3 =	vand.u32 $0x7, v3;
	v4 =	vand.u32 $0xFFFFFFF0, v45  }
0xa5: {  	v3 =	vor.u32 v3, v4  }
0xa6: {  	v4 =	vperm.xlane v3, v0;
	_ =	sdelay $0x1  }
0xa7: {  	v3 =	vperm.xlane v3, v2;
	v4 =	vadd.s32 v1, v4;
	_ =	sdelay $0x1  }
0xa8: {  	v3 =	vadd.s32 v1, v3;
	_ =	sdelay $0x2  }
0xa9: {  	[tilespmem:s23], [sflag:$0x1] =	stream.indirect_vreg.gather [hbm4b:s2+s3], $0x80, v4, vm0, $0xb8;
	[tilespmem:$0x8080] =	vst v63  }
0xaa: {  	_ = 	snop  }
0xab: {  	[tilespmem:s24], [sflag:$0x1] =	stream.indirect_vreg.gather [hbm4b:s2+s3], $0x80, v3, vm0, $0xb8;
	[tilespmem:$0x8080] =	vst v63  }
0xac: {  	v3 =	vld [tilespmem:$0x60];
	_ =	sdelay $0x4  }
0xad: {  	v46 =	vshll.u32 v3, $0x1  }
0xae: {  	v3 =	vand.u32 $0x7, v3;
	v4 =	vand.u32 $0xFFFFFFF0, v46  }
0xaf: {  	v3 =	vor.u32 v3, v4  }
0xb0: {  	v4 =	vperm.xlane v3, v0;
	_ =	sdelay $0x1  }
0xb1: {  	v3 =	vperm.xlane v3, v2;
	v4 =	vadd.s32 v1, v4;
	_ =	sdelay $0x1  }
0xb2: {  	v3 =	vadd.s32 v1, v3;
	_ =	sdelay $0x2  }
0xb3: {  	[tilespmem:s25], [sflag:$0x1] =	stream.indirect_vreg.gather [hbm4b:s2+s3], $0x80, v4, vm0, $0xb8;
	[tilespmem:$0x8080] =	vst v63  }
0xb4: {  	_ = 	snop  }
0xb5: {  	[tilespmem:s26], [sflag:$0x1] =	stream.indirect_vreg.gather [hbm4b:s2+s3], $0x80, v3, vm0, $0xb8;
	[tilespmem:$0x8080] =	vst v63  }
0xb6: {  	v3 =	vld [tilespmem:$0x70];
	_ =	sdelay $0x4  }
0xb7: {  	v47 =	vshll.u32 v3, $0x1  }
0xb8: {  	v3 =	vand.u32 $0x7, v3;
	v4 =	vand.u32 $0xFFFFFFF0, v47  }
0xb9: {  	v3 =	vor.u32 v3, v4  }
0xba: {  	v4 =	vperm.xlane v3, v0;
	_ =	sdelay $0x1  }
0xbb: {  	v3 =	vperm.xlane v3, v2;
	v4 =	vadd.s32 v1, v4;
	_ =	sdelay $0x1  }
0xbc: {  	v3 =	vadd.s32 v1, v3;
	_ =	sdelay $0x2  }
0xbd: {  	[tilespmem:s28], [sflag:$0x1] =	stream.indirect_vreg.gather [hbm4b:s2+s3], $0x80, v4, vm0, $0xb8;
	[tilespmem:$0x8080] =	vst v63  }
0xbe: {  	_ = 	snop  }
0xbf: {  	[tilespmem:s29], [sflag:$0x1] =	stream.indirect_vreg.gather [hbm4b:s2+s3], $0x80, v3, vm0, $0xb8;
	[tilespmem:$0x8080] =	vst v63  }
0xc0: {  	_ =	swait.ge [sflag:s30], $0x8000  }
0xc1: {  	[sflag:s30] =	ssyncset.done $0x0  }
0xc2: {  	[sflag:s30] =	ssyncadd.s32 $0xFFFF8000  }
0xc3: {  	[hbm4b:s7+s3] =	stream.linear.scatter [tilespmem:s13], [sflag:$0x2], $0x8000, $0x38;
	[tilespmem:$0x8080] =	vst v63  }
0xc4: {  	_ =	swait.ge [sflag:s12], $0x8000  }
0xc5: {  	[sflag:s12] =	ssyncset.done $0x0  }
0xc6: {  	[sflag:s12] =	ssyncadd.s32 $0xFFFF8000  }
0xc7: {  	[tilespmem:s3], [sflag:$0x2] =	stream.linear.gather [hbm4b:s8+s3], $0x80, $0x38;
	[tilespmem:$0x8080] =	vst v63  }
0xc8: {  	_ =	swait.ge [sflag:s12], $0x80  }
0xc9: {  	[sflag:s12] =	ssyncset.done $0x0  }
0xca: {  	[sflag:s12] =	ssyncadd.s32 $0xFFFFFF80  }
0xcb: {  	v3 =	vld [tilespmem:$0x0];
	_ =	sdelay $0x4  }
0xcc: {  	v48 =	vshll.u32 v3, $0x1  }
0xcd: {  	v3 =	vand.u32 $0x7, v3;
	v4 =	vand.u32 $0xFFFFFFF0, v48  }
0xce: {  	v3 =	vor.u32 v3, v4  }
0xcf: {  	v4 =	vperm.xlane v3, v0;
	_ =	sdelay $0x1  }
0xd0: {  	v3 =	vperm.xlane v3, v2;
	v4 =	vadd.s32 v1, v4;
	_ =	sdelay $0x1  }
0xd1: {  	v3 =	vadd.s32 v1, v3;
	_ =	sdelay $0x2  }
0xd2: {  	[tilespmem:s13], [sflag:$0x1] =	stream.indirect_vreg.gather [hbm4b:s1+s3], $0x80, v4, vm0, $0xb8;
	[tilespmem:$0x8080] =	vst v63  }
0xd3: {  	_ = 	snop  }
0xd4: {  	[tilespmem:s14], [sflag:$0x1] =	stream.indirect_vreg.gather [hbm4b:s1+s3], $0x80, v3, vm0, $0xb8;
	[tilespmem:$0x8080] =	vst v63  }
0xd5: {  	v3 =	vld [tilespmem:$0x10];
	_ =	sdelay $0x4  }
0xd6: {  	v49 =	vshll.u32 v3, $0x1  }
0xd7: {  	v3 =	vand.u32 $0x7, v3;
	v4 =	vand.u32 $0xFFFFFFF0, v49  }
0xd8: {  	v3 =	vor.u32 v3, v4  }
0xd9: {  	v4 =	vperm.xlane v3, v0;
	_ =	sdelay $0x1  }
0xda: {  	v3 =	vperm.xlane v3, v2;
	v4 =	vadd.s32 v1, v4;
	_ =	sdelay $0x1  }
0xdb: {  	v3 =	vadd.s32 v1, v3;
	_ =	sdelay $0x2  }
0xdc: {  	[tilespmem:s15], [sflag:$0x1] =	stream.indirect_vreg.gather [hbm4b:s1+s3], $0x80, v4, vm0, $0xb8;
	[tilespmem:$0x8080] =	vst v63  }
0xdd: {  	_ = 	snop  }
0xde: {  	[tilespmem:s16], [sflag:$0x1] =	stream.indirect_vreg.gather [hbm4b:s1+s3], $0x80, v3, vm0, $0xb8;
	[tilespmem:$0x8080] =	vst v63  }
0xdf: {  	v3 =	vld [tilespmem:$0x20];
	_ =	sdelay $0x4  }
0xe0: {  	v50 =	vshll.u32 v3, $0x1  }
0xe1: {  	v3 =	vand.u32 $0x7, v3;
	v4 =	vand.u32 $0xFFFFFFF0, v50  }
0xe2: {  	v3 =	vor.u32 v3, v4  }
0xe3: {  	v4 =	vperm.xlane v3, v0;
	_ =	sdelay $0x1  }
0xe4: {  	v3 =	vperm.xlane v3, v2;
	v4 =	vadd.s32 v1, v4;
	_ =	sdelay $0x1  }
0xe5: {  	v3 =	vadd.s32 v1, v3;
	_ =	sdelay $0x2  }
0xe6: {  	[tilespmem:s17], [sflag:$0x1] =	stream.indirect_vreg.gather [hbm4b:s1+s3], $0x80, v4, vm0, $0xb8;
	[tilespmem:$0x8080] =	vst v63  }
0xe7: {  	_ = 	snop  }
0xe8: {  	[tilespmem:s18], [sflag:$0x1] =	stream.indirect_vreg.gather [hbm4b:s1+s3], $0x80, v3, vm0, $0xb8;
	[tilespmem:$0x8080] =	vst v63  }
0xe9: {  	v3 =	vld [tilespmem:$0x30];
	_ =	sdelay $0x4  }
0xea: {  	v51 =	vshll.u32 v3, $0x1  }
0xeb: {  	v3 =	vand.u32 $0x7, v3;
	v4 =	vand.u32 $0xFFFFFFF0, v51  }
0xec: {  	v3 =	vor.u32 v3, v4  }
0xed: {  	v4 =	vperm.xlane v3, v0;
	_ =	sdelay $0x1  }
0xee: {  	v3 =	vperm.xlane v3, v2;
	v4 =	vadd.s32 v1, v4;
	_ =	sdelay $0x1  }
0xef: {  	v3 =	vadd.s32 v1, v3;
	_ =	sdelay $0x2  }
0xf0: {  	[tilespmem:s19], [sflag:$0x1] =	stream.indirect_vreg.gather [hbm4b:s1+s3], $0x80, v4, vm0, $0xb8;
	[tilespmem:$0x8080] =	vst v63  }
0xf1: {  	_ = 	snop  }
0xf2: {  	[tilespmem:s20], [sflag:$0x1] =	stream.indirect_vreg.gather [hbm4b:s1+s3], $0x80, v3, vm0, $0xb8;
	[tilespmem:$0x8080] =	vst v63  }
0xf3: {  	v3 =	vld [tilespmem:$0x40];
	_ =	sdelay $0x4  }
0xf4: {  	v52 =	vshll.u32 v3, $0x1  }
0xf5: {  	v3 =	vand.u32 $0x7, v3;
	v4 =	vand.u32 $0xFFFFFFF0, v52  }
0xf6: {  	v3 =	vor.u32 v3, v4  }
0xf7: {  	v4 =	vperm.xlane v3, v0;
	_ =	sdelay $0x1  }
0xf8: {  	v3 =	vperm.xlane v3, v2;
	v4 =	vadd.s32 v1, v4;
	_ =	sdelay $0x1  }
0xf9: {  	v3 =	vadd.s32 v1, v3;
	_ =	sdelay $0x2  }
0xfa: {  	[tilespmem:s21], [sflag:$0x1] =	stream.indirect_vreg.gather [hbm4b:s1+s3], $0x80, v4, vm0, $0xb8;
	[tilespmem:$0x8080] =	vst v63  }
0xfb: {  	_ = 	snop  }
0xfc: {  	[tilespmem:s22], [sflag:$0x1] =	stream.indirect_vreg.gather [hbm4b:s1+s3], $0x80, v3, vm0, $0xb8;
	[tilespmem:$0x8080] =	vst v63  }
0xfd: {  	v3 =	vld [tilespmem:$0x50];
	_ =	sdelay $0x4  }
0xfe: {  	v53 =	vshll.u32 v3, $0x1  }
0xff: {  	v3 =	vand.u32 $0x7, v3;
	v4 =	vand.u32 $0xFFFFFFF0, v53  }
0x100: {  	v3 =	vor.u32 v3, v4  }
0x101: {  	v4 =	vperm.xlane v3, v0;
	_ =	sdelay $0x1  }
0x102: {  	v3 =	vperm.xlane v3, v2;
	v4 =	vadd.s32 v1, v4;
	_ =	sdelay $0x1  }
0x103: {  	v3 =	vadd.s32 v1, v3;
	_ =	sdelay $0x2  }
0x104: {  	[tilespmem:s23], [sflag:$0x1] =	stream.indirect_vreg.gather [hbm4b:s1+s3], $0x80, v4, vm0, $0xb8;
	[tilespmem:$0x8080] =	vst v63  }
0x105: {  	_ = 	snop  }
0x106: {  	[tilespmem:s24], [sflag:$0x1] =	stream.indirect_vreg.gather [hbm4b:s1+s3], $0x80, v3, vm0, $0xb8;
	[tilespmem:$0x8080] =	vst v63  }
0x107: {  	v3 =	vld [tilespmem:$0x60];
	_ =	sdelay $0x4  }
0x108: {  	v54 =	vshll.u32 v3, $0x1  }
0x109: {  	v3 =	vand.u32 $0x7, v3;
	v4 =	vand.u32 $0xFFFFFFF0, v54  }
0x10a: {  	v3 =	vor.u32 v3, v4  }
0x10b: {  	v4 =	vperm.xlane v3, v0;
	_ =	sdelay $0x1  }
0x10c: {  	v3 =	vperm.xlane v3, v2;
	v4 =	vadd.s32 v1, v4;
	_ =	sdelay $0x1  }
0x10d: {  	v3 =	vadd.s32 v1, v3;
	_ =	sdelay $0x2  }
0x10e: {  	[tilespmem:s25], [sflag:$0x1] =	stream.indirect_vreg.gather [hbm4b:s1+s3], $0x80, v4, vm0, $0xb8;
	[tilespmem:$0x8080] =	vst v63  }
0x10f: {  	_ = 	snop  }
0x110: {  	[tilespmem:s26], [sflag:$0x1] =	stream.indirect_vreg.gather [hbm4b:s1+s3], $0x80, v3, vm0, $0xb8;
	[tilespmem:$0x8080] =	vst v63  }
0x111: {  	v3 =	vld [tilespmem:$0x70];
	_ =	sdelay $0x4  }
0x112: {  	v55 =	vshll.u32 v3, $0x1  }
0x113: {  	v3 =	vand.u32 $0x7, v3;
	v4 =	vand.u32 $0xFFFFFFF0, v55  }
0x114: {  	v3 =	vor.u32 v3, v4  }
0x115: {  	v4 =	vperm.xlane v3, v0;
	_ =	sdelay $0x1  }
0x116: {  	v3 =	vperm.xlane v3, v2;
	v4 =	vadd.s32 v1, v4;
	_ =	sdelay $0x1  }
0x117: {  	v3 =	vadd.s32 v1, v3;
	_ =	sdelay $0x2  }
0x118: {  	[tilespmem:s28], [sflag:$0x1] =	stream.indirect_vreg.gather [hbm4b:s1+s3], $0x80, v4, vm0, $0xb8;
	[tilespmem:$0x8080] =	vst v63  }
0x119: {  	_ = 	snop  }
0x11a: {  	[tilespmem:s29], [sflag:$0x1] =	stream.indirect_vreg.gather [hbm4b:s1+s3], $0x80, v3, vm0, $0xb8;
	[tilespmem:$0x8080] =	vst v63  }
0x11b: {  	_ =	swait.ge [sflag:s30], $0x8000  }
0x11c: {  	[sflag:s30] =	ssyncset.done $0x0  }
0x11d: {  	[sflag:s30] =	ssyncadd.s32 $0xFFFF8000  }
0x11e: {  	[hbm4b:s9+s3] =	stream.linear.scatter [tilespmem:s13], [sflag:$0x2], $0x8000, $0x38;
	[tilespmem:$0x8080] =	vst v63  }
0x11f: {  	_ =	swait.ge [sflag:s12], $0x8000  }
0x120: {  	[sflag:s12] =	ssyncset.done $0x0  }
0x121: {  	[sflag:s12] =	ssyncadd.s32 $0xFFFF8000  }
0x122: {  	v3 =	vld [tilespmem:$0x0];
	_ =	sdelay $0x4  }
0x123: {  	v56 =	vshll.u32 v3, $0x1  }
0x124: {  	v3 =	vand.u32 $0x7, v3;
	v4 =	vand.u32 $0xFFFFFFF0, v56  }
0x125: {  	v3 =	vor.u32 v3, v4  }
0x126: {  	v4 =	vperm.xlane v3, v0;
	_ =	sdelay $0x1  }
0x127: {  	v3 =	vperm.xlane v3, v2;
	v4 =	vadd.s32 v1, v4;
	_ =	sdelay $0x1  }
0x128: {  	v3 =	vadd.s32 v1, v3;
	_ =	sdelay $0x2  }
0x129: {  	[tilespmem:s13], [sflag:$0x1] =	stream.indirect_vreg.gather [hbm4b:s2+s3], $0x80, v4, vm0, $0xb8;
	[tilespmem:$0x8080] =	vst v63  }
0x12a: {  	_ = 	snop  }
0x12b: {  	[tilespmem:s14], [sflag:$0x1] =	stream.indirect_vreg.gather [hbm4b:s2+s3], $0x80, v3, vm0, $0xb8;
	[tilespmem:$0x8080] =	vst v63  }
0x12c: {  	v3 =	vld [tilespmem:$0x10];
	_ =	sdelay $0x4  }
0x12d: {  	v57 =	vshll.u32 v3, $0x1  }
0x12e: {  	v3 =	vand.u32 $0x7, v3;
	v4 =	vand.u32 $0xFFFFFFF0, v57  }
0x12f: {  	v3 =	vor.u32 v3, v4  }
0x130: {  	v4 =	vperm.xlane v3, v0;
	_ =	sdelay $0x1  }
0x131: {  	v3 =	vperm.xlane v3, v2;
	v4 =	vadd.s32 v1, v4;
	_ =	sdelay $0x1  }
0x132: {  	v3 =	vadd.s32 v1, v3;
	_ =	sdelay $0x2  }
0x133: {  	[tilespmem:s15], [sflag:$0x1] =	stream.indirect_vreg.gather [hbm4b:s2+s3], $0x80, v4, vm0, $0xb8;
	[tilespmem:$0x8080] =	vst v63  }
0x134: {  	_ = 	snop  }
0x135: {  	[tilespmem:s16], [sflag:$0x1] =	stream.indirect_vreg.gather [hbm4b:s2+s3], $0x80, v3, vm0, $0xb8;
	[tilespmem:$0x8080] =	vst v63  }
0x136: {  	v3 =	vld [tilespmem:$0x20];
	_ =	sdelay $0x4  }
0x137: {  	v58 =	vshll.u32 v3, $0x1  }
0x138: {  	v3 =	vand.u32 $0x7, v3;
	v4 =	vand.u32 $0xFFFFFFF0, v58  }
0x139: {  	v3 =	vor.u32 v3, v4  }
0x13a: {  	v4 =	vperm.xlane v3, v0;
	_ =	sdelay $0x1  }
0x13b: {  	v3 =	vperm.xlane v3, v2;
	v4 =	vadd.s32 v1, v4;
	_ =	sdelay $0x1  }
0x13c: {  	v3 =	vadd.s32 v1, v3;
	_ =	sdelay $0x2  }
0x13d: {  	[tilespmem:s17], [sflag:$0x1] =	stream.indirect_vreg.gather [hbm4b:s2+s3], $0x80, v4, vm0, $0xb8;
	[tilespmem:$0x8080] =	vst v63  }
0x13e: {  	_ = 	snop  }
0x13f: {  	[tilespmem:s18], [sflag:$0x1] =	stream.indirect_vreg.gather [hbm4b:s2+s3], $0x80, v3, vm0, $0xb8;
	[tilespmem:$0x8080] =	vst v63  }
0x140: {  	v3 =	vld [tilespmem:$0x30];
	_ =	sdelay $0x4  }
0x141: {  	v59 =	vshll.u32 v3, $0x1  }
0x142: {  	v3 =	vand.u32 $0x7, v3;
	v4 =	vand.u32 $0xFFFFFFF0, v59  }
0x143: {  	v3 =	vor.u32 v3, v4  }
0x144: {  	v4 =	vperm.xlane v3, v0;
	_ =	sdelay $0x1  }
0x145: {  	v3 =	vperm.xlane v3, v2;
	v4 =	vadd.s32 v1, v4;
	_ =	sdelay $0x1  }
0x146: {  	v3 =	vadd.s32 v1, v3;
	_ =	sdelay $0x2  }
0x147: {  	[tilespmem:s19], [sflag:$0x1] =	stream.indirect_vreg.gather [hbm4b:s2+s3], $0x80, v4, vm0, $0xb8;
	[tilespmem:$0x8080] =	vst v63  }
0x148: {  	_ = 	snop  }
0x149: {  	[tilespmem:s20], [sflag:$0x1] =	stream.indirect_vreg.gather [hbm4b:s2+s3], $0x80, v3, vm0, $0xb8;
	[tilespmem:$0x8080] =	vst v63  }
0x14a: {  	v3 =	vld [tilespmem:$0x40];
	_ =	sdelay $0x4  }
0x14b: {  	v60 =	vshll.u32 v3, $0x1  }
0x14c: {  	v3 =	vand.u32 $0x7, v3;
	v4 =	vand.u32 $0xFFFFFFF0, v60  }
0x14d: {  	v3 =	vor.u32 v3, v4  }
0x14e: {  	v4 =	vperm.xlane v3, v0;
	_ =	sdelay $0x1  }
0x14f: {  	v3 =	vperm.xlane v3, v2;
	v4 =	vadd.s32 v1, v4;
	_ =	sdelay $0x1  }
0x150: {  	v3 =	vadd.s32 v1, v3;
	_ =	sdelay $0x2  }
0x151: {  	[tilespmem:s21], [sflag:$0x1] =	stream.indirect_vreg.gather [hbm4b:s2+s3], $0x80, v4, vm0, $0xb8;
	[tilespmem:$0x8080] =	vst v63  }
0x152: {  	_ = 	snop  }
0x153: {  	[tilespmem:s22], [sflag:$0x1] =	stream.indirect_vreg.gather [hbm4b:s2+s3], $0x80, v3, vm0, $0xb8;
	[tilespmem:$0x8080] =	vst v63  }
0x154: {  	v3 =	vld [tilespmem:$0x50];
	_ =	sdelay $0x4  }
0x155: {  	v61 =	vshll.u32 v3, $0x1  }
0x156: {  	v3 =	vand.u32 $0x7, v3;
	v4 =	vand.u32 $0xFFFFFFF0, v61  }
0x157: {  	v3 =	vor.u32 v3, v4  }
0x158: {  	v4 =	vperm.xlane v3, v0;
	_ =	sdelay $0x1  }
0x159: {  	v3 =	vperm.xlane v3, v2;
	v4 =	vadd.s32 v1, v4;
	_ =	sdelay $0x1  }
0x15a: {  	v3 =	vadd.s32 v1, v3;
	_ =	sdelay $0x2  }
0x15b: {  	[tilespmem:s23], [sflag:$0x1] =	stream.indirect_vreg.gather [hbm4b:s2+s3], $0x80, v4, vm0, $0xb8;
	[tilespmem:$0x8080] =	vst v63  }
0x15c: {  	_ = 	snop  }
0x15d: {  	[tilespmem:s24], [sflag:$0x1] =	stream.indirect_vreg.gather [hbm4b:s2+s3], $0x80, v3, vm0, $0xb8;
	[tilespmem:$0x8080] =	vst v63  }
0x15e: {  	v3 =	vld [tilespmem:$0x60];
	_ =	sdelay $0x4  }
0x15f: {  	v62 =	vshll.u32 v3, $0x1  }
0x160: {  	v3 =	vand.u32 $0x7, v3;
	v4 =	vand.u32 $0xFFFFFFF0, v62  }
0x161: {  	v3 =	vor.u32 v3, v4  }
0x162: {  	v4 =	vperm.xlane v3, v0;
	_ =	sdelay $0x1  }
0x163: {  	v3 =	vperm.xlane v3, v2;
	v4 =	vadd.s32 v1, v4;
	_ =	sdelay $0x1  }
0x164: {  	v3 =	vadd.s32 v1, v3;
	_ =	sdelay $0x2  }
0x165: {  	[tilespmem:s25], [sflag:$0x1] =	stream.indirect_vreg.gather [hbm4b:s2+s3], $0x80, v4, vm0, $0xb8;
	[tilespmem:$0x8080] =	vst v63  }
0x166: {  	_ = 	snop  }
0x167: {  	[tilespmem:s26], [sflag:$0x1] =	stream.indirect_vreg.gather [hbm4b:s2+s3], $0x80, v3, vm0, $0xb8;
	[tilespmem:$0x8080] =	vst v63  }
0x168: {  	v3 =	vld [tilespmem:$0x70];
	_ =	sdelay $0x4  }
0x169: {  	v63 =	vshll.u32 v3, $0x1  }
0x16a: {  	v3 =	vand.u32 $0x7, v3;
	v4 =	vand.u32 $0xFFFFFFF0, v63  }
0x16b: {  	v3 =	vor.u32 v3, v4  }
0x16c: {  	v4 =	vperm.xlane v3, v0;
	_ =	sdelay $0x1  }
0x16d: {  	v3 =	vperm.xlane v3, v2;
	v4 =	vadd.s32 v1, v4;
	_ =	sdelay $0x1  }
0x16e: {  	v3 =	vadd.s32 v1, v3;
	_ =	sdelay $0x2  }
0x16f: {  	[tilespmem:s28], [sflag:$0x1] =	stream.indirect_vreg.gather [hbm4b:s2+s3], $0x80, v4, vm0, $0xb8;
	[tilespmem:$0x8080] =	vst v63  }
0x170: {  	_ = 	snop  }
0x171: {  	[tilespmem:s29], [sflag:$0x1] =	stream.indirect_vreg.gather [hbm4b:s2+s3], $0x80, v3, vm0, $0xb8;
	[tilespmem:$0x8080] =	vst v63  }
0x172: {  	_ =	swait.ge [sflag:s30], $0x8000  }
0x173: {  	p0 =	sne.s32 s11, $0x1;
	[sflag:s30] =	ssyncset.done $0x0  }
.Ltmp0:
0x174: {  	[sflag:s30] =	ssyncadd.s32 $0xFFFF8000;
	(pc) =	sbr.rel @p0 .LBB2_1-.Ltmp0, $4  }
0x175: {  	[hbm4b:s10+s3] =	stream.linear.scatter [tilespmem:s13], [sflag:$0x2], $0x8000, $0x38;
	[tilespmem:$0x8080] =	vst v63  }
0x176: {  	_ =	swait.ge [sflag:s12], $0x8000  }
0x177: {  	[sflag:s12] =	ssyncset.done $0x0  }
0x178: {  	s11 =	sadd.s32 $0xFFFFFFFF, s11;
	[sflag:s12] =	ssyncadd.s32 $0xFFFF8000  }
0x179: {  	_ =	sfence.sel $0x180000  }
0x17a: {  	[bflag:$0x0] =	sbarrier.arrive $0xFFFF  }
0x17b: {  	p0 =	sne.s32 s4, $0x0;
	_ =	strace $0x90000047  }
0x17c: {  	s0 =	sadd.s32 @!p0 $0x100000, s0;
	[bflag:$0x2] =	sbarrier.arrive $0xFFFF  }
0x17d: {  	[sflag:s0] =	ssyncadd.tile.s32 @!p0 $0x1;
	_ =	shalt  }
.Lfunc_end2:
_tile_overlayer_lowered:
.L_overlay_start_2:
0x17e: {  	(tag) =	ssettag $0x2  }
0x17f: {  	s0 =	rddreg [dreg:$0x0];
	s2 =	stileid.u32  }
0x180: {  	s1 =	rddreg [dreg:$0x1];
	p0 =	sne.s32 s2, $0x0  }
0x181: {  	s3 =	rddreg [dreg:$0x2];
	[bflag:$0x3] =	sbarrier.arrive $0xFFFF;
	s2 =	simm.s32 @!p0 $0x1C02  }
0x182: {  	[timem:s3], [sflag:s2] =	dma.local @!p0 [hbm:s0], s1  }
0x183: {  	s0 =	simm.s32 @!p0 $0x2  }
0x184: {  	_ =	swait.ge @!p0 [sflag:s0], s1  }
0x185: {  	s1 =	ssub.s32 @!p0 $0x0, s1;
	[sflag:s0] =	ssyncset.done @!p0 $0x0  }
0x186: {  	[sflag:s0] =	ssyncadd.s32 @!p0 s1  }
0x187: {  	[bflag:$0x3] =	sbarrier.arrive $0xFFFF  }
0x188: {  	_ =	shalt  }

</sc_bundles>
